<compile_context>
chip_gen: v7x
topology: tpu7x:2x2x1
jax: 0.10.2.dev20260603
libtpu: 0.0.44.dev20260713+nightly
codegen_flags: <defaults>
</compile_context>

<pallas_src>
import functools

import jax
import jax.numpy as jnp
from jax import lax
from jax.experimental import pallas as pl
from jax.experimental.pallas import tpu as pltpu
from jax.experimental.pallas import tpu_sc as plsc

B = 16384
L = 50
D = 32
NC = 2
NS = 16
NW = NC * NS
COLS_W = B // NW
CC = 32
CHUNKS = COLS_W // CC
LG = 10


def _gather_body(xt_hbm, table_hbm, out_hbm, idx0, idx1, rows0, rows1,
                 gsem0, gsem1, wsem0, wsem1):
    wid = lax.axis_index("s") * NC + lax.axis_index("c")
    col_base = wid * COLS_W
    idx = (idx0, idx1)
    rows = (rows0, rows1)
    gsem = (gsem0, gsem1)
    wsem = (wsem0, wsem1)

    def load_idx(c, b):
        pltpu.sync_copy(
            xt_hbm.at[:, pl.ds(col_base + c * CC, CC)], idx[b]
        )

    def fire_gathers(b):
        def group(g, _):
            for j in range(LG):
                l = g * LG + j
                pltpu.async_copy(
                    table_hbm.at[idx[b].at[l]],
                    rows[b].at[l],
                    gsem[b],
                )
            return _
        lax.fori_loop(0, L // LG, group, None)

    def wait_gathers(b):
        pltpu.make_async_copy(
            out_hbm.at[:, pl.ds(0, CC)], rows[b], gsem[b]
        ).wait()

    def write_async(c, b):
        pltpu.async_copy(
            rows[b], out_hbm.at[:, pl.ds(col_base + c * CC, CC)], wsem[b]
        )

    def wait_write(b):
        pltpu.make_async_copy(
            rows[b], out_hbm.at[:, pl.ds(0, CC)], wsem[b]
        ).wait()

    def pair(i, _):
        for h in (0, 1):
            c = 2 * i + h

            @pl.when(i > 0)
            def _wait_buf():
                wait_write(h)

            load_idx(c, h)
            fire_gathers(h)

            if h == 0:
                @pl.when(i > 0)
                def _drain_prev():
                    wait_gathers(1)
                    write_async(c - 1, 1)
            else:
                wait_gathers(0)
                write_async(c - 1, 0)
        return _

    lax.fori_loop(0, CHUNKS // 2, pair, None)

    wait_gathers(1)
    pltpu.sync_copy(
        rows[1], out_hbm.at[:, pl.ds(col_base + (CHUNKS - 1) * CC, CC)]
    )
    wait_write(0)


@functools.partial(jax.jit, static_argnames=())
def kernel(x, table):
    xt = jnp.swapaxes(x, 0, 1).astype(jnp.int32)
    out = pl.kernel(
        _gather_body,
        out_type=jax.ShapeDtypeStruct((L, B, D), jnp.float32),
        mesh=plsc.VectorSubcoreMesh(core_axis_name="c", subcore_axis_name="s"),
        compiler_params=pltpu.CompilerParams(use_tc_tiling_on_sc=False),
        scratch_types=[
            pltpu.VMEM((L, CC), jnp.int32),
            pltpu.VMEM((L, CC), jnp.int32),
            pltpu.VMEM((L, CC, D), jnp.float32),
            pltpu.VMEM((L, CC, D), jnp.float32),
            pltpu.SemaphoreType.DMA,
            pltpu.SemaphoreType.DMA,
            pltpu.SemaphoreType.DMA,
            pltpu.SemaphoreType.DMA,
        ],
    )(xt, table.astype(jnp.float32))
    return jnp.swapaxes(out, 0, 1)

# --- scband reference (transcript-rebuilt; emitter-appended) ---
"""Pipeline reference for scband-categorical-layer-28664611733805 (READ-ONLY COPY).

The authoritative reference and input builder live on the scoring server;
editing this copy changes nothing except your own understanding.
"""

import jax, jax.numpy as jnp
import numpy as np

VOCAB = 1000000
DIM = 32
B = 16384
L = 50

def setup_inputs(seed: int = 0) -> dict:
    key = jax.random.key(seed)
    k1, k2 = jax.random.split(key)
    x = jax.random.randint(k1, (B, L), 0, VOCAB + 1, dtype=jnp.int64)
    table = jax.random.normal(k2, (VOCAB + 1, DIM), dtype=jnp.float32)
    return {"x": x, "table": table}

def reference(x, table):
    # CategoricalLayer.forward -> nn.Embedding lookup
    return jnp.take(table, x, axis=0)

if __name__ == "__main__":
    import jax
    _d = setup_inputs()
    print(jax.jit(kernel)(*tuple(_d.values())))

</pallas_src>

<mosaic_0001>
#map = affine_map<(d0, d1) -> (0, 0)>
#map1 = affine_map<(d0, d1) -> (0, 0, 0)>
module attributes {stable_mosaic.version = 14 : i64} {
  func.func @_gather_body(%arg0: i32, %arg1: i32, %arg2: memref<50x16384xi32, #tpu.memory_space<hbm>>, %arg3: memref<1000001x32xf32, #tpu.memory_space<hbm>>, %arg4: memref<50x16384x32xf32, #tpu.memory_space<hbm>>, %arg5: memref<50x32xi32, #tpu.memory_space<vmem>>, %arg6: memref<50x32xi32, #tpu.memory_space<vmem>>, %arg7: memref<50x32x32xf32, #tpu.memory_space<vmem>>, %arg8: memref<50x32x32xf32, #tpu.memory_space<vmem>>, %arg9: memref<!tpu.dma_semaphore, #tpu.memory_space<semaphore_mem>>, %arg10: memref<!tpu.dma_semaphore, #tpu.memory_space<semaphore_mem>>, %arg11: memref<!tpu.dma_semaphore, #tpu.memory_space<semaphore_mem>>, %arg12: memref<!tpu.dma_semaphore, #tpu.memory_space<semaphore_mem>>) attributes {dimension_semantics = [#tpu.dimension_semantics<core_parallel>, #tpu.dimension_semantics<subcore_parallel>], iteration_bounds = array<i64: 2, 16>, scalar_prefetch = 0 : i64, scratch_operands = 8 : i64, tpu.core_type = #tpu.core_type<sc_vector_subcore>, window_params = [{transform_indices = #map}, {transform_indices = #map}, {transform_indices = #map1}]} {
    %mul3A = arith.constant 2 : i32
    %mul3A_0 = arith.muli %arg1, %mul3A : i32
    %add3A = arith.addi %mul3A_0, %arg0 : i32
    %mul3A_1 = arith.constant 512 : i32
    %mul3A_2 = arith.muli %add3A, %mul3A_1 : i32
    %scan3A = arith.constant 0 : i32
    %scan3A_3 = arith.constant 8 : i32
    %scan3A_4 = arith.addi %scan3A, %scan3A_3 : i32
    %scan3A_5 = arith.constant 1 : i32
    scf.for %scan3A_24 = %scan3A to %scan3A_4 step %scan3A_5  : i32 {
      %mul3A_25 = arith.constant 2 : i32
      %mul3A_26 = arith.muli %mul3A_25, %scan3A_24 : i32
      %add3A_27 = arith.constant 0 : i32
      %add3A_28 = arith.addi %mul3A_26, %add3A_27 : i32
      %gt3A = arith.constant 0 : i32
      %gt3A_29 = arith.cmpi sgt, %scan3A_24, %gt3A : i32
      %convert_element_type3A = arith.extui %gt3A_29 : i1 to i32
      %cond3A = arith.constant 0 : i32
      %cond3A_30 = arith.cmpi ne, %convert_element_type3A, %cond3A : i32
      scf.if %cond3A_30 {
        %dma_wait3A_78 = arith.constant 0 : i32
        %dma_wait3A_79 = arith.constant 0 : i32
        %dma_wait3A_80 = arith.constant 0 : i32
        %dma_wait3A_81 = tpu.memref_slice %arg4[%dma_wait3A_78, %dma_wait3A_79, %dma_wait3A_80] : memref<50x16384x32xf32, #tpu.memory_space<hbm>> -> memref<50x32x32xf32, #tpu.memory_space<hbm>>
        %dma_wait3A_82 = arith.constant 0 : i32
        %dma_wait3A_83 = arith.constant 0 : i32
        %dma_wait3A_84 = arith.constant 0 : i32
        %dma_wait3A_85 = tpu.memref_slice %arg4[%dma_wait3A_82, %dma_wait3A_83, %dma_wait3A_84] : memref<50x16384x32xf32, #tpu.memory_space<hbm>> -> memref<50x32x32xf32, #tpu.memory_space<hbm>>
        tpu.wait_dma2 semaphore(%arg11 : memref<!tpu.dma_semaphore, #tpu.memory_space<semaphore_mem>>) src(%arg7 : memref<50x32x32xf32, #tpu.memory_space<vmem>>) dst(%dma_wait3A_85 : memref<50x32x32xf32, #tpu.memory_space<hbm>>)
      } else {
      }
      %mul3A_31 = arith.constant 32 : i32
      %mul3A_32 = arith.muli %add3A_28, %mul3A_31 : i32
      %add3A_33 = arith.addi %mul3A_2, %mul3A_32 : i32
      "tpu.region"() ({
        %run_scoped3A = tpu.sem_alloc : memref<!tpu.dma_semaphore, #tpu.memory_space<semaphore_mem>>
        %dma_start3A_78 = arith.constant 0 : i32
        %dma_start3A_79 = tpu.memref_slice %arg2[%dma_start3A_78, %add3A_33] : memref<50x16384xi32, #tpu.memory_space<hbm>> -> memref<50x32xi32, #tpu.memory_space<hbm>>
        %dma_start3A_80 = arith.constant 0 : i32
        %dma_start3A_81 = tpu.memref_slice %arg2[%dma_start3A_80, %add3A_33] : memref<50x16384xi32, #tpu.memory_space<hbm>> -> memref<50x32xi32, #tpu.memory_space<hbm>>
        tpu.enqueue_dma source(%dma_start3A_81 : memref<50x32xi32, #tpu.memory_space<hbm>>) target(%arg5 : memref<50x32xi32, #tpu.memory_space<vmem>>) target_semaphore(%run_scoped3A : memref<!tpu.dma_semaphore, #tpu.memory_space<semaphore_mem>>)
        %dma_wait3A_82 = arith.constant 0 : i32
        %dma_wait3A_83 = tpu.memref_slice %arg2[%dma_wait3A_82, %add3A_33] : memref<50x16384xi32, #tpu.memory_space<hbm>> -> memref<50x32xi32, #tpu.memory_space<hbm>>
        %dma_wait3A_84 = arith.constant 0 : i32
        %dma_wait3A_85 = tpu.memref_slice %arg2[%dma_wait3A_84, %add3A_33] : memref<50x16384xi32, #tpu.memory_space<hbm>> -> memref<50x32xi32, #tpu.memory_space<hbm>>
        tpu.wait_dma2 semaphore(%run_scoped3A : memref<!tpu.dma_semaphore, #tpu.memory_space<semaphore_mem>>) src(%dma_wait3A_85 : memref<50x32xi32, #tpu.memory_space<hbm>>) dst(%arg5 : memref<50x32xi32, #tpu.memory_space<vmem>>)
        tpu.yield
      }) : () -> ()
      %scan3A_34 = arith.constant 0 : i32
      %scan3A_35 = arith.constant 5 : i32
      %scan3A_36 = arith.addi %scan3A_34, %scan3A_35 : i32
      %scan3A_37 = arith.constant 1 : i32
      scf.for %scan3A_78 = %scan3A_34 to %scan3A_36 step %scan3A_37  : i32 {
        %mul3A_79 = arith.constant 10 : i32
        %mul3A_80 = arith.muli %scan3A_78, %mul3A_79 : i32
        %add3A_81 = arith.constant 0 : i32
        %add3A_82 = arith.addi %mul3A_80, %add3A_81 : i32
        %dma_start3A_83 = arith.constant 0 : i32
        %dma_start3A_84 = arith.constant 0 : i32
        %dma_start3A_85 = tpu.memref_slice %arg7[%add3A_82, %dma_start3A_83, %dma_start3A_84] : memref<50x32x32xf32, #tpu.memory_space<vmem>> -> memref<1x32x32xf32, #tpu.memory_space<vmem>>
        %dma_start3A_86 = tpu.memref_squeeze %dma_start3A_85 : memref<1x32x32xf32, #tpu.memory_space<vmem>> -> memref<32x32xf32, #tpu.memory_space<vmem>>
        %dma_start3A_87 = arith.constant 0 : i32
        %dma_start3A_88 = tpu.memref_slice %arg5[%add3A_82, %dma_start3A_87] : memref<50x32xi32, #tpu.memory_space<vmem>> -> memref<1x32xi32, #tpu.memory_space<vmem>>
        %dma_start3A_89 = tpu.memref_squeeze %dma_start3A_88 : memref<1x32xi32, #tpu.memory_space<vmem>> -> memref<32xi32, #tpu.memory_space<vmem>>
        %dma_start3A_90 = arith.constant 0 : i32
        %dma_start3A_91 = arith.constant 0 : i32
        %dma_start3A_92 = tpu.memref_slice %arg3[%dma_start3A_90, %dma_start3A_91] : memref<1000001x32xf32, #tpu.memory_space<hbm>> -> memref<1000001x32xf32, #tpu.memory_space<hbm>>
        tpu.enqueue_indirect_dma source(%dma_start3A_92 : memref<1000001x32xf32, #tpu.memory_space<hbm>>) target(%dma_start3A_86 : memref<32x32xf32, #tpu.memory_space<vmem>>) offsets(%dma_start3A_89 : memref<32xi32, #tpu.memory_space<vmem>>) semaphore(%arg9 : memref<!tpu.dma_semaphore, #tpu.memory_space<semaphore_mem>>)
        %mul3A_93 = arith.constant 10 : i32
        %mul3A_94 = arith.muli %scan3A_78, %mul3A_93 : i32
        %add3A_95 = arith.constant 1 : i32
        %add3A_96 = arith.addi %mul3A_94, %add3A_95 : i32
        %dma_start3A_97 = arith.constant 0 : i32
        %dma_start3A_98 = arith.constant 0 : i32
        %dma_start3A_99 = tpu.memref_slice %arg7[%add3A_96, %dma_start3A_97, %dma_start3A_98] : memref<50x32x32xf32, #tpu.memory_space<vmem>> -> memref<1x32x32xf32, #tpu.memory_space<vmem>>
        %dma_start3A_100 = tpu.memref_squeeze %dma_start3A_99 : memref<1x32x32xf32, #tpu.memory_space<vmem>> -> memref<32x32xf32, #tpu.memory_space<vmem>>
        %dma_start3A_101 = arith.constant 0 : i32
        %dma_start3A_102 = tpu.memref_slice %arg5[%add3A_96, %dma_start3A_101] : memref<50x32xi32, #tpu.memory_space<vmem>> -> memref<1x32xi32, #tpu.memory_space<vmem>>
        %dma_start3A_103 = tpu.memref_squeeze %dma_start3A_102 : memref<1x32xi32, #tpu.memory_space<vmem>> -> memref<32xi32, #tpu.memory_space<vmem>>
        %dma_start3A_104 = arith.constant 0 : i32
        %dma_start3A_105 = arith.constant 0 : i32
        %dma_start3A_106 = tpu.memref_slice %arg3[%dma_start3A_104, %dma_start3A_105] : memref<1000001x32xf32, #tpu.memory_space<hbm>> -> memref<1000001x32xf32, #tpu.memory_space<hbm>>
        tpu.enqueue_indirect_dma source(%dma_start3A_106 : memref<1000001x32xf32, #tpu.memory_space<hbm>>) target(%dma_start3A_100 : memref<32x32xf32, #tpu.memory_space<vmem>>) offsets(%dma_start3A_103 : memref<32xi32, #tpu.memory_space<vmem>>) semaphore(%arg9 : memref<!tpu.dma_semaphore, #tpu.memory_space<semaphore_mem>>)
        %mul3A_107 = arith.constant 10 : i32
        %mul3A_108 = arith.muli %scan3A_78, %mul3A_107 : i32
        %add3A_109 = arith.constant 2 : i32
        %add3A_110 = arith.addi %mul3A_108, %add3A_109 : i32
        %dma_start3A_111 = arith.constant 0 : i32
        %dma_start3A_112 = arith.constant 0 : i32
        %dma_start3A_113 = tpu.memref_slice %arg7[%add3A_110, %dma_start3A_111, %dma_start3A_112] : memref<50x32x32xf32, #tpu.memory_space<vmem>> -> memref<1x32x32xf32, #tpu.memory_space<vmem>>
        %dma_start3A_114 = tpu.memref_squeeze %dma_start3A_113 : memref<1x32x32xf32, #tpu.memory_space<vmem>> -> memref<32x32xf32, #tpu.memory_space<vmem>>
        %dma_start3A_115 = arith.constant 0 : i32
        %dma_start3A_116 = tpu.memref_slice %arg5[%add3A_110, %dma_start3A_115] : memref<50x32xi32, #tpu.memory_space<vmem>> -> memref<1x32xi32, #tpu.memory_space<vmem>>
        %dma_start3A_117 = tpu.memref_squeeze %dma_start3A_116 : memref<1x32xi32, #tpu.memory_space<vmem>> -> memref<32xi32, #tpu.memory_space<vmem>>
        %dma_start3A_118 = arith.constant 0 : i32
        %dma_start3A_119 = arith.constant 0 : i32
        %dma_start3A_120 = tpu.memref_slice %arg3[%dma_start3A_118, %dma_start3A_119] : memref<1000001x32xf32, #tpu.memory_space<hbm>> -> memref<1000001x32xf32, #tpu.memory_space<hbm>>
        tpu.enqueue_indirect_dma source(%dma_start3A_120 : memref<1000001x32xf32, #tpu.memory_space<hbm>>) target(%dma_start3A_114 : memref<32x32xf32, #tpu.memory_space<vmem>>) offsets(%dma_start3A_117 : memref<32xi32, #tpu.memory_space<vmem>>) semaphore(%arg9 : memref<!tpu.dma_semaphore, #tpu.memory_space<semaphore_mem>>)
        %mul3A_121 = arith.constant 10 : i32
        %mul3A_122 = arith.muli %scan3A_78, %mul3A_121 : i32
        %add3A_123 = arith.constant 3 : i32
        %add3A_124 = arith.addi %mul3A_122, %add3A_123 : i32
        %dma_start3A_125 = arith.constant 0 : i32
        %dma_start3A_126 = arith.constant 0 : i32
        %dma_start3A_127 = tpu.memref_slice %arg7[%add3A_124, %dma_start3A_125, %dma_start3A_126] : memref<50x32x32xf32, #tpu.memory_space<vmem>> -> memref<1x32x32xf32, #tpu.memory_space<vmem>>
        %dma_start3A_128 = tpu.memref_squeeze %dma_start3A_127 : memref<1x32x32xf32, #tpu.memory_space<vmem>> -> memref<32x32xf32, #tpu.memory_space<vmem>>
        %dma_start3A_129 = arith.constant 0 : i32
        %dma_start3A_130 = tpu.memref_slice %arg5[%add3A_124, %dma_start3A_129] : memref<50x32xi32, #tpu.memory_space<vmem>> -> memref<1x32xi32, #tpu.memory_space<vmem>>
        %dma_start3A_131 = tpu.memref_squeeze %dma_start3A_130 : memref<1x32xi32, #tpu.memory_space<vmem>> -> memref<32xi32, #tpu.memory_space<vmem>>
        %dma_start3A_132 = arith.constant 0 : i32
        %dma_start3A_133 = arith.constant 0 : i32
        %dma_start3A_134 = tpu.memref_slice %arg3[%dma_start3A_132, %dma_start3A_133] : memref<1000001x32xf32, #tpu.memory_space<hbm>> -> memref<1000001x32xf32, #tpu.memory_space<hbm>>
        tpu.enqueue_indirect_dma source(%dma_start3A_134 : memref<1000001x32xf32, #tpu.memory_space<hbm>>) target(%dma_start3A_128 : memref<32x32xf32, #tpu.memory_space<vmem>>) offsets(%dma_start3A_131 : memref<32xi32, #tpu.memory_space<vmem>>) semaphore(%arg9 : memref<!tpu.dma_semaphore, #tpu.memory_space<semaphore_mem>>)
        %mul3A_135 = arith.constant 10 : i32
        %mul3A_136 = arith.muli %scan3A_78, %mul3A_135 : i32
        %add3A_137 = arith.constant 4 : i32
        %add3A_138 = arith.addi %mul3A_136, %add3A_137 : i32
        %dma_start3A_139 = arith.constant 0 : i32
        %dma_start3A_140 = arith.constant 0 : i32
        %dma_start3A_141 = tpu.memref_slice %arg7[%add3A_138, %dma_start3A_139, %dma_start3A_140] : memref<50x32x32xf32, #tpu.memory_space<vmem>> -> memref<1x32x32xf32, #tpu.memory_space<vmem>>
        %dma_start3A_142 = tpu.memref_squeeze %dma_start3A_141 : memref<1x32x32xf32, #tpu.memory_space<vmem>> -> memref<32x32xf32, #tpu.memory_space<vmem>>
        %dma_start3A_143 = arith.constant 0 : i32
        %dma_start3A_144 = tpu.memref_slice %arg5[%add3A_138, %dma_start3A_143] : memref<50x32xi32, #tpu.memory_space<vmem>> -> memref<1x32xi32, #tpu.memory_space<vmem>>
        %dma_start3A_145 = tpu.memref_squeeze %dma_start3A_144 : memref<1x32xi32, #tpu.memory_space<vmem>> -> memref<32xi32, #tpu.memory_space<vmem>>
        %dma_start3A_146 = arith.constant 0 : i32
        %dma_start3A_147 = arith.constant 0 : i32
        %dma_start3A_148 = tpu.memref_slice %arg3[%dma_start3A_146, %dma_start3A_147] : memref<1000001x32xf32, #tpu.memory_space<hbm>> -> memref<1000001x32xf32, #tpu.memory_space<hbm>>
        tpu.enqueue_indirect_dma source(%dma_start3A_148 : memref<1000001x32xf32, #tpu.memory_space<hbm>>) target(%dma_start3A_142 : memref<32x32xf32, #tpu.memory_space<vmem>>) offsets(%dma_start3A_145 : memref<32xi32, #tpu.memory_space<vmem>>) semaphore(%arg9 : memref<!tpu.dma_semaphore, #tpu.memory_space<semaphore_mem>>)
        %mul3A_149 = arith.constant 10 : i32
        %mul3A_150 = arith.muli %scan3A_78, %mul3A_149 : i32
        %add3A_151 = arith.constant 5 : i32
        %add3A_152 = arith.addi %mul3A_150, %add3A_151 : i32
        %dma_start3A_153 = arith.constant 0 : i32
        %dma_start3A_154 = arith.constant 0 : i32
        %dma_start3A_155 = tpu.memref_slice %arg7[%add3A_152, %dma_start3A_153, %dma_start3A_154] : memref<50x32x32xf32, #tpu.memory_space<vmem>> -> memref<1x32x32xf32, #tpu.memory_space<vmem>>
        %dma_start3A_156 = tpu.memref_squeeze %dma_start3A_155 : memref<1x32x32xf32, #tpu.memory_space<vmem>> -> memref<32x32xf32, #tpu.memory_space<vmem>>
        %dma_start3A_157 = arith.constant 0 : i32
        %dma_start3A_158 = tpu.memref_slice %arg5[%add3A_152, %dma_start3A_157] : memref<50x32xi32, #tpu.memory_space<vmem>> -> memref<1x32xi32, #tpu.memory_space<vmem>>
        %dma_start3A_159 = tpu.memref_squeeze %dma_start3A_158 : memref<1x32xi32, #tpu.memory_space<vmem>> -> memref<32xi32, #tpu.memory_space<vmem>>
        %dma_start3A_160 = arith.constant 0 : i32
        %dma_start3A_161 = arith.constant 0 : i32
        %dma_start3A_162 = tpu.memref_slice %arg3[%dma_start3A_160, %dma_start3A_161] : memref<1000001x32xf32, #tpu.memory_space<hbm>> -> memref<1000001x32xf32, #tpu.memory_space<hbm>>
        tpu.enqueue_indirect_dma source(%dma_start3A_162 : memref<1000001x32xf32, #tpu.memory_space<hbm>>) target(%dma_start3A_156 : memref<32x32xf32, #tpu.memory_space<vmem>>) offsets(%dma_start3A_159 : memref<32xi32, #tpu.memory_space<vmem>>) semaphore(%arg9 : memref<!tpu.dma_semaphore, #tpu.memory_space<semaphore_mem>>)
        %mul3A_163 = arith.constant 10 : i32
        %mul3A_164 = arith.muli %scan3A_78, %mul3A_163 : i32
        %add3A_165 = arith.constant 6 : i32
        %add3A_166 = arith.addi %mul3A_164, %add3A_165 : i32
        %dma_start3A_167 = arith.constant 0 : i32
        %dma_start3A_168 = arith.constant 0 : i32
        %dma_start3A_169 = tpu.memref_slice %arg7[%add3A_166, %dma_start3A_167, %dma_start3A_168] : memref<50x32x32xf32, #tpu.memory_space<vmem>> -> memref<1x32x32xf32, #tpu.memory_space<vmem>>
        %dma_start3A_170 = tpu.memref_squeeze %dma_start3A_169 : memref<1x32x32xf32, #tpu.memory_space<vmem>> -> memref<32x32xf32, #tpu.memory_space<vmem>>
        %dma_start3A_171 = arith.constant 0 : i32
        %dma_start3A_172 = tpu.memref_slice %arg5[%add3A_166, %dma_start3A_171] : memref<50x32xi32, #tpu.memory_space<vmem>> -> memref<1x32xi32, #tpu.memory_space<vmem>>
        %dma_start3A_173 = tpu.memref_squeeze %dma_start3A_172 : memref<1x32xi32, #tpu.memory_space<vmem>> -> memref<32xi32, #tpu.memory_space<vmem>>
        %dma_start3A_174 = arith.constant 0 : i32
        %dma_start3A_175 = arith.constant 0 : i32
        %dma_start3A_176 = tpu.memref_slice %arg3[%dma_start3A_174, %dma_start3A_175] : memref<1000001x32xf32, #tpu.memory_space<hbm>> -> memref<1000001x32xf32, #tpu.memory_space<hbm>>
        tpu.enqueue_indirect_dma source(%dma_start3A_176 : memref<1000001x32xf32, #tpu.memory_space<hbm>>) target(%dma_start3A_170 : memref<32x32xf32, #tpu.memory_space<vmem>>) offsets(%dma_start3A_173 : memref<32xi32, #tpu.memory_space<vmem>>) semaphore(%arg9 : memref<!tpu.dma_semaphore, #tpu.memory_space<semaphore_mem>>)
        %mul3A_177 = arith.constant 10 : i32
        %mul3A_178 = arith.muli %scan3A_78, %mul3A_177 : i32
        %add3A_179 = arith.constant 7 : i32
        %add3A_180 = arith.addi %mul3A_178, %add3A_179 : i32
        %dma_start3A_181 = arith.constant 0 : i32
        %dma_start3A_182 = arith.constant 0 : i32
        %dma_start3A_183 = tpu.memref_slice %arg7[%add3A_180, %dma_start3A_181, %dma_start3A_182] : memref<50x32x32xf32, #tpu.memory_space<vmem>> -> memref<1x32x32xf32, #tpu.memory_space<vmem>>
        %dma_start3A_184 = tpu.memref_squeeze %dma_start3A_183 : memref<1x32x32xf32, #tpu.memory_space<vmem>> -> memref<32x32xf32, #tpu.memory_space<vmem>>
        %dma_start3A_185 = arith.constant 0 : i32
        %dma_start3A_186 = tpu.memref_slice %arg5[%add3A_180, %dma_start3A_185] : memref<50x32xi32, #tpu.memory_space<vmem>> -> memref<1x32xi32, #tpu.memory_space<vmem>>
        %dma_start3A_187 = tpu.memref_squeeze %dma_start3A_186 : memref<1x32xi32, #tpu.memory_space<vmem>> -> memref<32xi32, #tpu.memory_space<vmem>>
        %dma_start3A_188 = arith.constant 0 : i32
        %dma_start3A_189 = arith.constant 0 : i32
        %dma_start3A_190 = tpu.memref_slice %arg3[%dma_start3A_188, %dma_start3A_189] : memref<1000001x32xf32, #tpu.memory_space<hbm>> -> memref<1000001x32xf32, #tpu.memory_space<hbm>>
        tpu.enqueue_indirect_dma source(%dma_start3A_190 : memref<1000001x32xf32, #tpu.memory_space<hbm>>) target(%dma_start3A_184 : memref<32x32xf32, #tpu.memory_space<vmem>>) offsets(%dma_start3A_187 : memref<32xi32, #tpu.memory_space<vmem>>) semaphore(%arg9 : memref<!tpu.dma_semaphore, #tpu.memory_space<semaphore_mem>>)
        %mul3A_191 = arith.constant 10 : i32
        %mul3A_192 = arith.muli %scan3A_78, %mul3A_191 : i32
        %add3A_193 = arith.constant 8 : i32
        %add3A_194 = arith.addi %mul3A_192, %add3A_193 : i32
        %dma_start3A_195 = arith.constant 0 : i32
        %dma_start3A_196 = arith.constant 0 : i32
        %dma_start3A_197 = tpu.memref_slice %arg7[%add3A_194, %dma_start3A_195, %dma_start3A_196] : memref<50x32x32xf32, #tpu.memory_space<vmem>> -> memref<1x32x32xf32, #tpu.memory_space<vmem>>
        %dma_start3A_198 = tpu.memref_squeeze %dma_start3A_197 : memref<1x32x32xf32, #tpu.memory_space<vmem>> -> memref<32x32xf32, #tpu.memory_space<vmem>>
        %dma_start3A_199 = arith.constant 0 : i32
        %dma_start3A_200 = tpu.memref_slice %arg5[%add3A_194, %dma_start3A_199] : memref<50x32xi32, #tpu.memory_space<vmem>> -> memref<1x32xi32, #tpu.memory_space<vmem>>
        %dma_start3A_201 = tpu.memref_squeeze %dma_start3A_200 : memref<1x32xi32, #tpu.memory_space<vmem>> -> memref<32xi32, #tpu.memory_space<vmem>>
        %dma_start3A_202 = arith.constant 0 : i32
        %dma_start3A_203 = arith.constant 0 : i32
        %dma_start3A_204 = tpu.memref_slice %arg3[%dma_start3A_202, %dma_start3A_203] : memref<1000001x32xf32, #tpu.memory_space<hbm>> -> memref<1000001x32xf32, #tpu.memory_space<hbm>>
        tpu.enqueue_indirect_dma source(%dma_start3A_204 : memref<1000001x32xf32, #tpu.memory_space<hbm>>) target(%dma_start3A_198 : memref<32x32xf32, #tpu.memory_space<vmem>>) offsets(%dma_start3A_201 : memref<32xi32, #tpu.memory_space<vmem>>) semaphore(%arg9 : memref<!tpu.dma_semaphore, #tpu.memory_space<semaphore_mem>>)
        %mul3A_205 = arith.constant 10 : i32
        %mul3A_206 = arith.muli %scan3A_78, %mul3A_205 : i32
        %add3A_207 = arith.constant 9 : i32
        %add3A_208 = arith.addi %mul3A_206, %add3A_207 : i32
        %dma_start3A_209 = arith.constant 0 : i32
        %dma_start3A_210 = arith.constant 0 : i32
        %dma_start3A_211 = tpu.memref_slice %arg7[%add3A_208, %dma_start3A_209, %dma_start3A_210] : memref<50x32x32xf32, #tpu.memory_space<vmem>> -> memref<1x32x32xf32, #tpu.memory_space<vmem>>
        %dma_start3A_212 = tpu.memref_squeeze %dma_start3A_211 : memref<1x32x32xf32, #tpu.memory_space<vmem>> -> memref<32x32xf32, #tpu.memory_space<vmem>>
        %dma_start3A_213 = arith.constant 0 : i32
        %dma_start3A_214 = tpu.memref_slice %arg5[%add3A_208, %dma_start3A_213] : memref<50x32xi32, #tpu.memory_space<vmem>> -> memref<1x32xi32, #tpu.memory_space<vmem>>
        %dma_start3A_215 = tpu.memref_squeeze %dma_start3A_214 : memref<1x32xi32, #tpu.memory_space<vmem>> -> memref<32xi32, #tpu.memory_space<vmem>>
        %dma_start3A_216 = arith.constant 0 : i32
        %dma_start3A_217 = arith.constant 0 : i32
        %dma_start3A_218 = tpu.memref_slice %arg3[%dma_start3A_216, %dma_start3A_217] : memref<1000001x32xf32, #tpu.memory_space<hbm>> -> memref<1000001x32xf32, #tpu.memory_space<hbm>>
        tpu.enqueue_indirect_dma source(%dma_start3A_218 : memref<1000001x32xf32, #tpu.memory_space<hbm>>) target(%dma_start3A_212 : memref<32x32xf32, #tpu.memory_space<vmem>>) offsets(%dma_start3A_215 : memref<32xi32, #tpu.memory_space<vmem>>) semaphore(%arg9 : memref<!tpu.dma_semaphore, #tpu.memory_space<semaphore_mem>>)
      }
      %scan3A_38 = arith.constant 5 : i32
      %gt3A_39 = arith.constant 0 : i32
      %gt3A_40 = arith.cmpi sgt, %scan3A_24, %gt3A_39 : i32
      %convert_element_type3A_41 = arith.extui %gt3A_40 : i1 to i32
      %cond3A_42 = arith.constant 0 : i32
      %cond3A_43 = arith.cmpi ne, %convert_element_type3A_41, %cond3A_42 : i32
      scf.if %cond3A_43 {
        %dma_wait3A_78 = arith.constant 0 : i32
        %dma_wait3A_79 = arith.constant 0 : i32
        %dma_wait3A_80 = arith.constant 0 : i32
        %dma_wait3A_81 = tpu.memref_slice %arg4[%dma_wait3A_78, %dma_wait3A_79, %dma_wait3A_80] : memref<50x16384x32xf32, #tpu.memory_space<hbm>> -> memref<50x32x32xf32, #tpu.memory_space<hbm>>
        %dma_wait3A_82 = arith.constant 0 : i32
        %dma_wait3A_83 = arith.constant 0 : i32
        %dma_wait3A_84 = arith.constant 0 : i32
        %dma_wait3A_85 = tpu.memref_slice %arg4[%dma_wait3A_82, %dma_wait3A_83, %dma_wait3A_84] : memref<50x16384x32xf32, #tpu.memory_space<hbm>> -> memref<50x32x32xf32, #tpu.memory_space<hbm>>
        tpu.wait_dma2 semaphore(%arg10 : memref<!tpu.dma_semaphore, #tpu.memory_space<semaphore_mem>>) src(%dma_wait3A_85 : memref<50x32x32xf32, #tpu.memory_space<hbm>>) dst(%arg8 : memref<50x32x32xf32, #tpu.memory_space<vmem>>)
        %sub3A_86 = arith.constant 1 : i32
        %sub3A_87 = arith.subi %add3A_28, %sub3A_86 : i32
        %mul3A_88 = arith.constant 32 : i32
        %mul3A_89 = arith.muli %sub3A_87, %mul3A_88 : i32
        %add3A_90 = arith.addi %mul3A_2, %mul3A_89 : i32
        %dma_start3A_91 = arith.constant 0 : i32
        %dma_start3A_92 = arith.constant 0 : i32
        %dma_start3A_93 = tpu.memref_slice %arg4[%dma_start3A_91, %add3A_90, %dma_start3A_92] : memref<50x16384x32xf32, #tpu.memory_space<hbm>> -> memref<50x32x32xf32, #tpu.memory_space<hbm>>
        %dma_start3A_94 = arith.constant 0 : i32
        %dma_start3A_95 = arith.constant 0 : i32
        %dma_start3A_96 = tpu.memref_slice %arg4[%dma_start3A_94, %add3A_90, %dma_start3A_95] : memref<50x16384x32xf32, #tpu.memory_space<hbm>> -> memref<50x32x32xf32, #tpu.memory_space<hbm>>
        tpu.enqueue_dma source(%arg8 : memref<50x32x32xf32, #tpu.memory_space<vmem>>) target(%dma_start3A_96 : memref<50x32x32xf32, #tpu.memory_space<hbm>>) target_semaphore(%arg12 : memref<!tpu.dma_semaphore, #tpu.memory_space<semaphore_mem>>)
      } else {
      }
      %mul3A_44 = arith.constant 2 : i32
      %mul3A_45 = arith.muli %mul3A_44, %scan3A_24 : i32
      %add3A_46 = arith.constant 1 : i32
      %add3A_47 = arith.addi %mul3A_45, %add3A_46 : i32
      %gt3A_48 = arith.constant 0 : i32
      %gt3A_49 = arith.cmpi sgt, %scan3A_24, %gt3A_48 : i32
      %convert_element_type3A_50 = arith.extui %gt3A_49 : i1 to i32
      %cond3A_51 = arith.constant 0 : i32
      %cond3A_52 = arith.cmpi ne, %convert_element_type3A_50, %cond3A_51 : i32
      scf.if %cond3A_52 {
        %dma_wait3A_78 = arith.constant 0 : i32
        %dma_wait3A_79 = arith.constant 0 : i32
        %dma_wait3A_80 = arith.constant 0 : i32
        %dma_wait3A_81 = tpu.memref_slice %arg4[%dma_wait3A_78, %dma_wait3A_79, %dma_wait3A_80] : memref<50x16384x32xf32, #tpu.memory_space<hbm>> -> memref<50x32x32xf32, #tpu.memory_space<hbm>>
        %dma_wait3A_82 = arith.constant 0 : i32
        %dma_wait3A_83 = arith.constant 0 : i32
        %dma_wait3A_84 = arith.constant 0 : i32
        %dma_wait3A_85 = tpu.memref_slice %arg4[%dma_wait3A_82, %dma_wait3A_83, %dma_wait3A_84] : memref<50x16384x32xf32, #tpu.memory_space<hbm>> -> memref<50x32x32xf32, #tpu.memory_space<hbm>>
        tpu.wait_dma2 semaphore(%arg12 : memref<!tpu.dma_semaphore, #tpu.memory_space<semaphore_mem>>) src(%arg8 : memref<50x32x32xf32, #tpu.memory_space<vmem>>) dst(%dma_wait3A_85 : memref<50x32x32xf32, #tpu.memory_space<hbm>>)
      } else {
      }
      %mul3A_53 = arith.constant 32 : i32
      %mul3A_54 = arith.muli %add3A_47, %mul3A_53 : i32
      %add3A_55 = arith.addi %mul3A_2, %mul3A_54 : i32
      "tpu.region"() ({
        %run_scoped3A = tpu.sem_alloc : memref<!tpu.dma_semaphore, #tpu.memory_space<semaphore_mem>>
        %dma_start3A_78 = arith.constant 0 : i32
        %dma_start3A_79 = tpu.memref_slice %arg2[%dma_start3A_78, %add3A_55] : memref<50x16384xi32, #tpu.memory_space<hbm>> -> memref<50x32xi32, #tpu.memory_space<hbm>>
        %dma_start3A_80 = arith.constant 0 : i32
        %dma_start3A_81 = tpu.memref_slice %arg2[%dma_start3A_80, %add3A_55] : memref<50x16384xi32, #tpu.memory_space<hbm>> -> memref<50x32xi32, #tpu.memory_space<hbm>>
        tpu.enqueue_dma source(%dma_start3A_81 : memref<50x32xi32, #tpu.memory_space<hbm>>) target(%arg6 : memref<50x32xi32, #tpu.memory_space<vmem>>) target_semaphore(%run_scoped3A : memref<!tpu.dma_semaphore, #tpu.memory_space<semaphore_mem>>)
        %dma_wait3A_82 = arith.constant 0 : i32
        %dma_wait3A_83 = tpu.memref_slice %arg2[%dma_wait3A_82, %add3A_55] : memref<50x16384xi32, #tpu.memory_space<hbm>> -> memref<50x32xi32, #tpu.memory_space<hbm>>
        %dma_wait3A_84 = arith.constant 0 : i32
        %dma_wait3A_85 = tpu.memref_slice %arg2[%dma_wait3A_84, %add3A_55] : memref<50x16384xi32, #tpu.memory_space<hbm>> -> memref<50x32xi32, #tpu.memory_space<hbm>>
        tpu.wait_dma2 semaphore(%run_scoped3A : memref<!tpu.dma_semaphore, #tpu.memory_space<semaphore_mem>>) src(%dma_wait3A_85 : memref<50x32xi32, #tpu.memory_space<hbm>>) dst(%arg6 : memref<50x32xi32, #tpu.memory_space<vmem>>)
        tpu.yield
      }) : () -> ()
      %scan3A_56 = arith.constant 0 : i32
      %scan3A_57 = arith.constant 5 : i32
      %scan3A_58 = arith.addi %scan3A_56, %scan3A_57 : i32
      %scan3A_59 = arith.constant 1 : i32
      scf.for %scan3A_78 = %scan3A_56 to %scan3A_58 step %scan3A_59  : i32 {
        %mul3A_79 = arith.constant 10 : i32
        %mul3A_80 = arith.muli %scan3A_78, %mul3A_79 : i32
        %add3A_81 = arith.constant 0 : i32
        %add3A_82 = arith.addi %mul3A_80, %add3A_81 : i32
        %dma_start3A_83 = arith.constant 0 : i32
        %dma_start3A_84 = arith.constant 0 : i32
        %dma_start3A_85 = tpu.memref_slice %arg8[%add3A_82, %dma_start3A_83, %dma_start3A_84] : memref<50x32x32xf32, #tpu.memory_space<vmem>> -> memref<1x32x32xf32, #tpu.memory_space<vmem>>
        %dma_start3A_86 = tpu.memref_squeeze %dma_start3A_85 : memref<1x32x32xf32, #tpu.memory_space<vmem>> -> memref<32x32xf32, #tpu.memory_space<vmem>>
        %dma_start3A_87 = arith.constant 0 : i32
        %dma_start3A_88 = tpu.memref_slice %arg6[%add3A_82, %dma_start3A_87] : memref<50x32xi32, #tpu.memory_space<vmem>> -> memref<1x32xi32, #tpu.memory_space<vmem>>
        %dma_start3A_89 = tpu.memref_squeeze %dma_start3A_88 : memref<1x32xi32, #tpu.memory_space<vmem>> -> memref<32xi32, #tpu.memory_space<vmem>>
        %dma_start3A_90 = arith.constant 0 : i32
        %dma_start3A_91 = arith.constant 0 : i32
        %dma_start3A_92 = tpu.memref_slice %arg3[%dma_start3A_90, %dma_start3A_91] : memref<1000001x32xf32, #tpu.memory_space<hbm>> -> memref<1000001x32xf32, #tpu.memory_space<hbm>>
        tpu.enqueue_indirect_dma source(%dma_start3A_92 : memref<1000001x32xf32, #tpu.memory_space<hbm>>) target(%dma_start3A_86 : memref<32x32xf32, #tpu.memory_space<vmem>>) offsets(%dma_start3A_89 : memref<32xi32, #tpu.memory_space<vmem>>) semaphore(%arg10 : memref<!tpu.dma_semaphore, #tpu.memory_space<semaphore_mem>>)
        %mul3A_93 = arith.constant 10 : i32
        %mul3A_94 = arith.muli %scan3A_78, %mul3A_93 : i32
        %add3A_95 = arith.constant 1 : i32
        %add3A_96 = arith.addi %mul3A_94, %add3A_95 : i32
        %dma_start3A_97 = arith.constant 0 : i32
        %dma_start3A_98 = arith.constant 0 : i32
        %dma_start3A_99 = tpu.memref_slice %arg8[%add3A_96, %dma_start3A_97, %dma_start3A_98] : memref<50x32x32xf32, #tpu.memory_space<vmem>> -> memref<1x32x32xf32, #tpu.memory_space<vmem>>
        %dma_start3A_100 = tpu.memref_squeeze %dma_start3A_99 : memref<1x32x32xf32, #tpu.memory_space<vmem>> -> memref<32x32xf32, #tpu.memory_space<vmem>>
        %dma_start3A_101 = arith.constant 0 : i32
        %dma_start3A_102 = tpu.memref_slice %arg6[%add3A_96, %dma_start3A_101] : memref<50x32xi32, #tpu.memory_space<vmem>> -> memref<1x32xi32, #tpu.memory_space<vmem>>
        %dma_start3A_103 = tpu.memref_squeeze %dma_start3A_102 : memref<1x32xi32, #tpu.memory_space<vmem>> -> memref<32xi32, #tpu.memory_space<vmem>>
        %dma_start3A_104 = arith.constant 0 : i32
        %dma_start3A_105 = arith.constant 0 : i32
        %dma_start3A_106 = tpu.memref_slice %arg3[%dma_start3A_104, %dma_start3A_105] : memref<1000001x32xf32, #tpu.memory_space<hbm>> -> memref<1000001x32xf32, #tpu.memory_space<hbm>>
        tpu.enqueue_indirect_dma source(%dma_start3A_106 : memref<1000001x32xf32, #tpu.memory_space<hbm>>) target(%dma_start3A_100 : memref<32x32xf32, #tpu.memory_space<vmem>>) offsets(%dma_start3A_103 : memref<32xi32, #tpu.memory_space<vmem>>) semaphore(%arg10 : memref<!tpu.dma_semaphore, #tpu.memory_space<semaphore_mem>>)
        %mul3A_107 = arith.constant 10 : i32
        %mul3A_108 = arith.muli %scan3A_78, %mul3A_107 : i32
        %add3A_109 = arith.constant 2 : i32
        %add3A_110 = arith.addi %mul3A_108, %add3A_109 : i32
        %dma_start3A_111 = arith.constant 0 : i32
        %dma_start3A_112 = arith.constant 0 : i32
        %dma_start3A_113 = tpu.memref_slice %arg8[%add3A_110, %dma_start3A_111, %dma_start3A_112] : memref<50x32x32xf32, #tpu.memory_space<vmem>> -> memref<1x32x32xf32, #tpu.memory_space<vmem>>
        %dma_start3A_114 = tpu.memref_squeeze %dma_start3A_113 : memref<1x32x32xf32, #tpu.memory_space<vmem>> -> memref<32x32xf32, #tpu.memory_space<vmem>>
        %dma_start3A_115 = arith.constant 0 : i32
        %dma_start3A_116 = tpu.memref_slice %arg6[%add3A_110, %dma_start3A_115] : memref<50x32xi32, #tpu.memory_space<vmem>> -> memref<1x32xi32, #tpu.memory_space<vmem>>
        %dma_start3A_117 = tpu.memref_squeeze %dma_start3A_116 : memref<1x32xi32, #tpu.memory_space<vmem>> -> memref<32xi32, #tpu.memory_space<vmem>>
        %dma_start3A_118 = arith.constant 0 : i32
        %dma_start3A_119 = arith.constant 0 : i32
        %dma_start3A_120 = tpu.memref_slice %arg3[%dma_start3A_118, %dma_start3A_119] : memref<1000001x32xf32, #tpu.memory_space<hbm>> -> memref<1000001x32xf32, #tpu.memory_space<hbm>>
        tpu.enqueue_indirect_dma source(%dma_start3A_120 : memref<1000001x32xf32, #tpu.memory_space<hbm>>) target(%dma_start3A_114 : memref<32x32xf32, #tpu.memory_space<vmem>>) offsets(%dma_start3A_117 : memref<32xi32, #tpu.memory_space<vmem>>) semaphore(%arg10 : memref<!tpu.dma_semaphore, #tpu.memory_space<semaphore_mem>>)
        %mul3A_121 = arith.constant 10 : i32
        %mul3A_122 = arith.muli %scan3A_78, %mul3A_121 : i32
        %add3A_123 = arith.constant 3 : i32
        %add3A_124 = arith.addi %mul3A_122, %add3A_123 : i32
        %dma_start3A_125 = arith.constant 0 : i32
        %dma_start3A_126 = arith.constant 0 : i32
        %dma_start3A_127 = tpu.memref_slice %arg8[%add3A_124, %dma_start3A_125, %dma_start3A_126] : memref<50x32x32xf32, #tpu.memory_space<vmem>> -> memref<1x32x32xf32, #tpu.memory_space<vmem>>
        %dma_start3A_128 = tpu.memref_squeeze %dma_start3A_127 : memref<1x32x32xf32, #tpu.memory_space<vmem>> -> memref<32x32xf32, #tpu.memory_space<vmem>>
        %dma_start3A_129 = arith.constant 0 : i32
        %dma_start3A_130 = tpu.memref_slice %arg6[%add3A_124, %dma_start3A_129] : memref<50x32xi32, #tpu.memory_space<vmem>> -> memref<1x32xi32, #tpu.memory_space<vmem>>
        %dma_start3A_131 = tpu.memref_squeeze %dma_start3A_130 : memref<1x32xi32, #tpu.memory_space<vmem>> -> memref<32xi32, #tpu.memory_space<vmem>>
        %dma_start3A_132 = arith.constant 0 : i32
        %dma_start3A_133 = arith.constant 0 : i32
        %dma_start3A_134 = tpu.memref_slice %arg3[%dma_start3A_132, %dma_start3A_133] : memref<1000001x32xf32, #tpu.memory_space<hbm>> -> memref<1000001x32xf32, #tpu.memory_space<hbm>>
        tpu.enqueue_indirect_dma source(%dma_start3A_134 : memref<1000001x32xf32, #tpu.memory_space<hbm>>) target(%dma_start3A_128 : memref<32x32xf32, #tpu.memory_space<vmem>>) offsets(%dma_start3A_131 : memref<32xi32, #tpu.memory_space<vmem>>) semaphore(%arg10 : memref<!tpu.dma_semaphore, #tpu.memory_space<semaphore_mem>>)
        %mul3A_135 = arith.constant 10 : i32
        %mul3A_136 = arith.muli %scan3A_78, %mul3A_135 : i32
        %add3A_137 = arith.constant 4 : i32
        %add3A_138 = arith.addi %mul3A_136, %add3A_137 : i32
        %dma_start3A_139 = arith.constant 0 : i32
        %dma_start3A_140 = arith.constant 0 : i32
        %dma_start3A_141 = tpu.memref_slice %arg8[%add3A_138, %dma_start3A_139, %dma_start3A_140] : memref<50x32x32xf32, #tpu.memory_space<vmem>> -> memref<1x32x32xf32, #tpu.memory_space<vmem>>
        %dma_start3A_142 = tpu.memref_squeeze %dma_start3A_141 : memref<1x32x32xf32, #tpu.memory_space<vmem>> -> memref<32x32xf32, #tpu.memory_space<vmem>>
        %dma_start3A_143 = arith.constant 0 : i32
        %dma_start3A_144 = tpu.memref_slice %arg6[%add3A_138, %dma_start3A_143] : memref<50x32xi32, #tpu.memory_space<vmem>> -> memref<1x32xi32, #tpu.memory_space<vmem>>
        %dma_start3A_145 = tpu.memref_squeeze %dma_start3A_144 : memref<1x32xi32, #tpu.memory_space<vmem>> -> memref<32xi32, #tpu.memory_space<vmem>>
        %dma_start3A_146 = arith.constant 0 : i32
        %dma_start3A_147 = arith.constant 0 : i32
        %dma_start3A_148 = tpu.memref_slice %arg3[%dma_start3A_146, %dma_start3A_147] : memref<1000001x32xf32, #tpu.memory_space<hbm>> -> memref<1000001x32xf32, #tpu.memory_space<hbm>>
        tpu.enqueue_indirect_dma source(%dma_start3A_148 : memref<1000001x32xf32, #tpu.memory_space<hbm>>) target(%dma_start3A_142 : memref<32x32xf32, #tpu.memory_space<vmem>>) offsets(%dma_start3A_145 : memref<32xi32, #tpu.memory_space<vmem>>) semaphore(%arg10 : memref<!tpu.dma_semaphore, #tpu.memory_space<semaphore_mem>>)
        %mul3A_149 = arith.constant 10 : i32
        %mul3A_150 = arith.muli %scan3A_78, %mul3A_149 : i32
        %add3A_151 = arith.constant 5 : i32
        %add3A_152 = arith.addi %mul3A_150, %add3A_151 : i32
        %dma_start3A_153 = arith.constant 0 : i32
        %dma_start3A_154 = arith.constant 0 : i32
        %dma_start3A_155 = tpu.memref_slice %arg8[%add3A_152, %dma_start3A_153, %dma_start3A_154] : memref<50x32x32xf32, #tpu.memory_space<vmem>> -> memref<1x32x32xf32, #tpu.memory_space<vmem>>
        %dma_start3A_156 = tpu.memref_squeeze %dma_start3A_155 : memref<1x32x32xf32, #tpu.memory_space<vmem>> -> memref<32x32xf32, #tpu.memory_space<vmem>>
        %dma_start3A_157 = arith.constant 0 : i32
        %dma_start3A_158 = tpu.memref_slice %arg6[%add3A_152, %dma_start3A_157] : memref<50x32xi32, #tpu.memory_space<vmem>> -> memref<1x32xi32, #tpu.memory_space<vmem>>
        %dma_start3A_159 = tpu.memref_squeeze %dma_start3A_158 : memref<1x32xi32, #tpu.memory_space<vmem>> -> memref<32xi32, #tpu.memory_space<vmem>>
        %dma_start3A_160 = arith.constant 0 : i32
        %dma_start3A_161 = arith.constant 0 : i32
        %dma_start3A_162 = tpu.memref_slice %arg3[%dma_start3A_160, %dma_start3A_161] : memref<1000001x32xf32, #tpu.memory_space<hbm>> -> memref<1000001x32xf32, #tpu.memory_space<hbm>>
        tpu.enqueue_indirect_dma source(%dma_start3A_162 : memref<1000001x32xf32, #tpu.memory_space<hbm>>) target(%dma_start3A_156 : memref<32x32xf32, #tpu.memory_space<vmem>>) offsets(%dma_start3A_159 : memref<32xi32, #tpu.memory_space<vmem>>) semaphore(%arg10 : memref<!tpu.dma_semaphore, #tpu.memory_space<semaphore_mem>>)
        %mul3A_163 = arith.constant 10 : i32
        %mul3A_164 = arith.muli %scan3A_78, %mul3A_163 : i32
        %add3A_165 = arith.constant 6 : i32
        %add3A_166 = arith.addi %mul3A_164, %add3A_165 : i32
        %dma_start3A_167 = arith.constant 0 : i32
        %dma_start3A_168 = arith.constant 0 : i32
        %dma_start3A_169 = tpu.memref_slice %arg8[%add3A_166, %dma_start3A_167, %dma_start3A_168] : memref<50x32x32xf32, #tpu.memory_space<vmem>> -> memref<1x32x32xf32, #tpu.memory_space<vmem>>
        %dma_start3A_170 = tpu.memref_squeeze %dma_start3A_169 : memref<1x32x32xf32, #tpu.memory_space<vmem>> -> memref<32x32xf32, #tpu.memory_space<vmem>>
        %dma_start3A_171 = arith.constant 0 : i32
        %dma_start3A_172 = tpu.memref_slice %arg6[%add3A_166, %dma_start3A_171] : memref<50x32xi32, #tpu.memory_space<vmem>> -> memref<1x32xi32, #tpu.memory_space<vmem>>
        %dma_start3A_173 = tpu.memref_squeeze %dma_start3A_172 : memref<1x32xi32, #tpu.memory_space<vmem>> -> memref<32xi32, #tpu.memory_space<vmem>>
        %dma_start3A_174 = arith.constant 0 : i32
        %dma_start3A_175 = arith.constant 0 : i32
        %dma_start3A_176 = tpu.memref_slice %arg3[%dma_start3A_174, %dma_start3A_175] : memref<1000001x32xf32, #tpu.memory_space<hbm>> -> memref<1000001x32xf32, #tpu.memory_space<hbm>>
        tpu.enqueue_indirect_dma source(%dma_start3A_176 : memref<1000001x32xf32, #tpu.memory_space<hbm>>) target(%dma_start3A_170 : memref<32x32xf32, #tpu.memory_space<vmem>>) offsets(%dma_start3A_173 : memref<32xi32, #tpu.memory_space<vmem>>) semaphore(%arg10 : memref<!tpu.dma_semaphore, #tpu.memory_space<semaphore_mem>>)
        %mul3A_177 = arith.constant 10 : i32
        %mul3A_178 = arith.muli %scan3A_78, %mul3A_177 : i32
        %add3A_179 = arith.constant 7 : i32
        %add3A_180 = arith.addi %mul3A_178, %add3A_179 : i32
        %dma_start3A_181 = arith.constant 0 : i32
        %dma_start3A_182 = arith.constant 0 : i32
        %dma_start3A_183 = tpu.memref_slice %arg8[%add3A_180, %dma_start3A_181, %dma_start3A_182] : memref<50x32x32xf32, #tpu.memory_space<vmem>> -> memref<1x32x32xf32, #tpu.memory_space<vmem>>
        %dma_start3A_184 = tpu.memref_squeeze %dma_start3A_183 : memref<1x32x32xf32, #tpu.memory_space<vmem>> -> memref<32x32xf32, #tpu.memory_space<vmem>>
        %dma_start3A_185 = arith.constant 0 : i32
        %dma_start3A_186 = tpu.memref_slice %arg6[%add3A_180, %dma_start3A_185] : memref<50x32xi32, #tpu.memory_space<vmem>> -> memref<1x32xi32, #tpu.memory_space<vmem>>
        %dma_start3A_187 = tpu.memref_squeeze %dma_start3A_186 : memref<1x32xi32, #tpu.memory_space<vmem>> -> memref<32xi32, #tpu.memory_space<vmem>>
        %dma_start3A_188 = arith.constant 0 : i32
        %dma_start3A_189 = arith.constant 0 : i32
        %dma_start3A_190 = tpu.memref_slice %arg3[%dma_start3A_188, %dma_start3A_189] : memref<1000001x32xf32, #tpu.memory_space<hbm>> -> memref<1000001x32xf32, #tpu.memory_space<hbm>>
        tpu.enqueue_indirect_dma source(%dma_start3A_190 : memref<1000001x32xf32, #tpu.memory_space<hbm>>) target(%dma_start3A_184 : memref<32x32xf32, #tpu.memory_space<vmem>>) offsets(%dma_start3A_187 : memref<32xi32, #tpu.memory_space<vmem>>) semaphore(%arg10 : memref<!tpu.dma_semaphore, #tpu.memory_space<semaphore_mem>>)
        %mul3A_191 = arith.constant 10 : i32
        %mul3A_192 = arith.muli %scan3A_78, %mul3A_191 : i32
        %add3A_193 = arith.constant 8 : i32
        %add3A_194 = arith.addi %mul3A_192, %add3A_193 : i32
        %dma_start3A_195 = arith.constant 0 : i32
        %dma_start3A_196 = arith.constant 0 : i32
        %dma_start3A_197 = tpu.memref_slice %arg8[%add3A_194, %dma_start3A_195, %dma_start3A_196] : memref<50x32x32xf32, #tpu.memory_space<vmem>> -> memref<1x32x32xf32, #tpu.memory_space<vmem>>
        %dma_start3A_198 = tpu.memref_squeeze %dma_start3A_197 : memref<1x32x32xf32, #tpu.memory_space<vmem>> -> memref<32x32xf32, #tpu.memory_space<vmem>>
        %dma_start3A_199 = arith.constant 0 : i32
        %dma_start3A_200 = tpu.memref_slice %arg6[%add3A_194, %dma_start3A_199] : memref<50x32xi32, #tpu.memory_space<vmem>> -> memref<1x32xi32, #tpu.memory_space<vmem>>
        %dma_start3A_201 = tpu.memref_squeeze %dma_start3A_200 : memref<1x32xi32, #tpu.memory_space<vmem>> -> memref<32xi32, #tpu.memory_space<vmem>>
        %dma_start3A_202 = arith.constant 0 : i32
        %dma_start3A_203 = arith.constant 0 : i32
        %dma_start3A_204 = tpu.memref_slice %arg3[%dma_start3A_202, %dma_start3A_203] : memref<1000001x32xf32, #tpu.memory_space<hbm>> -> memref<1000001x32xf32, #tpu.memory_space<hbm>>
        tpu.enqueue_indirect_dma source(%dma_start3A_204 : memref<1000001x32xf32, #tpu.memory_space<hbm>>) target(%dma_start3A_198 : memref<32x32xf32, #tpu.memory_space<vmem>>) offsets(%dma_start3A_201 : memref<32xi32, #tpu.memory_space<vmem>>) semaphore(%arg10 : memref<!tpu.dma_semaphore, #tpu.memory_space<semaphore_mem>>)
        %mul3A_205 = arith.constant 10 : i32
        %mul3A_206 = arith.muli %scan3A_78, %mul3A_205 : i32
        %add3A_207 = arith.constant 9 : i32
        %add3A_208 = arith.addi %mul3A_206, %add3A_207 : i32
        %dma_start3A_209 = arith.constant 0 : i32
        %dma_start3A_210 = arith.constant 0 : i32
        %dma_start3A_211 = tpu.memref_slice %arg8[%add3A_208, %dma_start3A_209, %dma_start3A_210] : memref<50x32x32xf32, #tpu.memory_space<vmem>> -> memref<1x32x32xf32, #tpu.memory_space<vmem>>
        %dma_start3A_212 = tpu.memref_squeeze %dma_start3A_211 : memref<1x32x32xf32, #tpu.memory_space<vmem>> -> memref<32x32xf32, #tpu.memory_space<vmem>>
        %dma_start3A_213 = arith.constant 0 : i32
        %dma_start3A_214 = tpu.memref_slice %arg6[%add3A_208, %dma_start3A_213] : memref<50x32xi32, #tpu.memory_space<vmem>> -> memref<1x32xi32, #tpu.memory_space<vmem>>
        %dma_start3A_215 = tpu.memref_squeeze %dma_start3A_214 : memref<1x32xi32, #tpu.memory_space<vmem>> -> memref<32xi32, #tpu.memory_space<vmem>>
        %dma_start3A_216 = arith.constant 0 : i32
        %dma_start3A_217 = arith.constant 0 : i32
        %dma_start3A_218 = tpu.memref_slice %arg3[%dma_start3A_216, %dma_start3A_217] : memref<1000001x32xf32, #tpu.memory_space<hbm>> -> memref<1000001x32xf32, #tpu.memory_space<hbm>>
        tpu.enqueue_indirect_dma source(%dma_start3A_218 : memref<1000001x32xf32, #tpu.memory_space<hbm>>) target(%dma_start3A_212 : memref<32x32xf32, #tpu.memory_space<vmem>>) offsets(%dma_start3A_215 : memref<32xi32, #tpu.memory_space<vmem>>) semaphore(%arg10 : memref<!tpu.dma_semaphore, #tpu.memory_space<semaphore_mem>>)
      }
      %scan3A_60 = arith.constant 5 : i32
      %dma_wait3A_61 = arith.constant 0 : i32
      %dma_wait3A_62 = arith.constant 0 : i32
      %dma_wait3A_63 = arith.constant 0 : i32
      %dma_wait3A_64 = tpu.memref_slice %arg4[%dma_wait3A_61, %dma_wait3A_62, %dma_wait3A_63] : memref<50x16384x32xf32, #tpu.memory_space<hbm>> -> memref<50x32x32xf32, #tpu.memory_space<hbm>>
      %dma_wait3A_65 = arith.constant 0 : i32
      %dma_wait3A_66 = arith.constant 0 : i32
      %dma_wait3A_67 = arith.constant 0 : i32
      %dma_wait3A_68 = tpu.memref_slice %arg4[%dma_wait3A_65, %dma_wait3A_66, %dma_wait3A_67] : memref<50x16384x32xf32, #tpu.memory_space<hbm>> -> memref<50x32x32xf32, #tpu.memory_space<hbm>>
      tpu.wait_dma2 semaphore(%arg9 : memref<!tpu.dma_semaphore, #tpu.memory_space<semaphore_mem>>) src(%dma_wait3A_68 : memref<50x32x32xf32, #tpu.memory_space<hbm>>) dst(%arg7 : memref<50x32x32xf32, #tpu.memory_space<vmem>>)
      %sub3A = arith.constant 1 : i32
      %sub3A_69 = arith.subi %add3A_47, %sub3A : i32
      %mul3A_70 = arith.constant 32 : i32
      %mul3A_71 = arith.muli %sub3A_69, %mul3A_70 : i32
      %add3A_72 = arith.addi %mul3A_2, %mul3A_71 : i32
      %dma_start3A = arith.constant 0 : i32
      %dma_start3A_73 = arith.constant 0 : i32
      %dma_start3A_74 = tpu.memref_slice %arg4[%dma_start3A, %add3A_72, %dma_start3A_73] : memref<50x16384x32xf32, #tpu.memory_space<hbm>> -> memref<50x32x32xf32, #tpu.memory_space<hbm>>
      %dma_start3A_75 = arith.constant 0 : i32
      %dma_start3A_76 = arith.constant 0 : i32
      %dma_start3A_77 = tpu.memref_slice %arg4[%dma_start3A_75, %add3A_72, %dma_start3A_76] : memref<50x16384x32xf32, #tpu.memory_space<hbm>> -> memref<50x32x32xf32, #tpu.memory_space<hbm>>
      tpu.enqueue_dma source(%arg7 : memref<50x32x32xf32, #tpu.memory_space<vmem>>) target(%dma_start3A_77 : memref<50x32x32xf32, #tpu.memory_space<hbm>>) target_semaphore(%arg11 : memref<!tpu.dma_semaphore, #tpu.memory_space<semaphore_mem>>)
    }
    %scan3A_6 = arith.constant 8 : i32
    %dma_wait3A = arith.constant 0 : i32
    %dma_wait3A_7 = arith.constant 0 : i32
    %dma_wait3A_8 = arith.constant 0 : i32
    %dma_wait3A_9 = tpu.memref_slice %arg4[%dma_wait3A, %dma_wait3A_7, %dma_wait3A_8] : memref<50x16384x32xf32, #tpu.memory_space<hbm>> -> memref<50x32x32xf32, #tpu.memory_space<hbm>>
    %dma_wait3A_10 = arith.constant 0 : i32
    %dma_wait3A_11 = arith.constant 0 : i32
    %dma_wait3A_12 = arith.constant 0 : i32
    %dma_wait3A_13 = tpu.memref_slice %arg4[%dma_wait3A_10, %dma_wait3A_11, %dma_wait3A_12] : memref<50x16384x32xf32, #tpu.memory_space<hbm>> -> memref<50x32x32xf32, #tpu.memory_space<hbm>>
    tpu.wait_dma2 semaphore(%arg10 : memref<!tpu.dma_semaphore, #tpu.memory_space<semaphore_mem>>) src(%dma_wait3A_13 : memref<50x32x32xf32, #tpu.memory_space<hbm>>) dst(%arg8 : memref<50x32x32xf32, #tpu.memory_space<vmem>>)
    %add3A_14 = arith.constant 480 : i32
    %add3A_15 = arith.addi %mul3A_2, %add3A_14 : i32
    "tpu.region"() ({
      %run_scoped3A = tpu.sem_alloc : memref<!tpu.dma_semaphore, #tpu.memory_space<semaphore_mem>>
      %dma_start3A = arith.constant 0 : i32
      %dma_start3A_24 = arith.constant 0 : i32
      %dma_start3A_25 = tpu.memref_slice %arg4[%dma_start3A, %add3A_15, %dma_start3A_24] : memref<50x16384x32xf32, #tpu.memory_space<hbm>> -> memref<50x32x32xf32, #tpu.memory_space<hbm>>
      %dma_start3A_26 = arith.constant 0 : i32
      %dma_start3A_27 = arith.constant 0 : i32
      %dma_start3A_28 = tpu.memref_slice %arg4[%dma_start3A_26, %add3A_15, %dma_start3A_27] : memref<50x16384x32xf32, #tpu.memory_space<hbm>> -> memref<50x32x32xf32, #tpu.memory_space<hbm>>
      tpu.enqueue_dma source(%arg8 : memref<50x32x32xf32, #tpu.memory_space<vmem>>) target(%dma_start3A_28 : memref<50x32x32xf32, #tpu.memory_space<hbm>>) target_semaphore(%run_scoped3A : memref<!tpu.dma_semaphore, #tpu.memory_space<semaphore_mem>>)
      %dma_wait3A_29 = arith.constant 0 : i32
      %dma_wait3A_30 = arith.constant 0 : i32
      %dma_wait3A_31 = tpu.memref_slice %arg4[%dma_wait3A_29, %add3A_15, %dma_wait3A_30] : memref<50x16384x32xf32, #tpu.memory_space<hbm>> -> memref<50x32x32xf32, #tpu.memory_space<hbm>>
      %dma_wait3A_32 = arith.constant 0 : i32
      %dma_wait3A_33 = arith.constant 0 : i32
      %dma_wait3A_34 = tpu.memref_slice %arg4[%dma_wait3A_32, %add3A_15, %dma_wait3A_33] : memref<50x16384x32xf32, #tpu.memory_space<hbm>> -> memref<50x32x32xf32, #tpu.memory_space<hbm>>
      tpu.wait_dma2 semaphore(%run_scoped3A : memref<!tpu.dma_semaphore, #tpu.memory_space<semaphore_mem>>) src(%arg8 : memref<50x32x32xf32, #tpu.memory_space<vmem>>) dst(%dma_wait3A_34 : memref<50x32x32xf32, #tpu.memory_space<hbm>>)
      tpu.yield
    }) : () -> ()
    %dma_wait3A_16 = arith.constant 0 : i32
    %dma_wait3A_17 = arith.constant 0 : i32
    %dma_wait3A_18 = arith.constant 0 : i32
    %dma_wait3A_19 = tpu.memref_slice %arg4[%dma_wait3A_16, %dma_wait3A_17, %dma_wait3A_18] : memref<50x16384x32xf32, #tpu.memory_space<hbm>> -> memref<50x32x32xf32, #tpu.memory_space<hbm>>
    %dma_wait3A_20 = arith.constant 0 : i32
    %dma_wait3A_21 = arith.constant 0 : i32
    %dma_wait3A_22 = arith.constant 0 : i32
    %dma_wait3A_23 = tpu.memref_slice %arg4[%dma_wait3A_20, %dma_wait3A_21, %dma_wait3A_22] : memref<50x16384x32xf32, #tpu.memory_space<hbm>> -> memref<50x32x32xf32, #tpu.memory_space<hbm>>
    tpu.wait_dma2 semaphore(%arg11 : memref<!tpu.dma_semaphore, #tpu.memory_space<semaphore_mem>>) src(%arg7 : memref<50x32x32xf32, #tpu.memory_space<vmem>>) dst(%dma_wait3A_23 : memref<50x32x32xf32, #tpu.memory_space<hbm>>)
    return
  }
}

</mosaic_0001>

<sc_bundles>
// kernel: kernel.3.cloned.1.call-start
scs
__scs_entry_jumppad:
0x0: {  	(pc) =	sbr.rel $0x88, $3  }
0x1: {  	(tag) =	ssettag $0x0;
	lr =	simm.s32 $0x1  }
0x2: {  	[smem:$0x3F9F] =	sst lr;
	_ =	strace $0xD0000000  }
0x3: {  	_ = 	snop  }
0x4: {  	_ = 	snop  }
0x5: {  	_ = 	snop  }
0x6: {  	_ = 	snop  }
0x7: {  	_ = 	snop  }
__scs_overlays_trampoline_lowered:
0x8: {  	[smem:$0x3FAE] =	sst s0  }
0x9: {  	[smem:$0x3FAF] =	sst s1  }
0xa: {  	[smem:$0x3FB0] =	sst s2  }
0xb: {  	[smem:$0x3FB1] =	sst s3  }
0xc: {  	[smem:$0x3FB2] =	sst s4  }
0xd: {  	[smem:$0x3FB3] =	sst s5  }
0xe: {  	[smem:$0x3FB4] =	sst s6  }
0xf: {  	[smem:$0x3FB5] =	sst s7  }
0x10: {  	[smem:$0x3FB6] =	sst s8  }
0x11: {  	[smem:$0x3FB7] =	sst s9;
	s0 =	simm.s32 @!p0 $0x0  }
0x12: {  	s1 =	sld [smem:$0x3F9D];
	s0 =	simm.s32 @p0 $0x1  }
0x13: {  	[smem:$0x3FB8] =	sst s0;
	s0 =	simm.s32 @!p1 $0x0  }
0x14: {  	s2 =	sld [smem:$0x3F9C];
	s0 =	simm.s32 @p1 $0x1  }
0x15: {  	[smem:$0x3FB9] =	sst s0;
	s0 =	simm.s32 @!p2 $0x0  }
0x16: {  	s3 =	sld [smem:$0x3FDB];
	s0 =	simm.s32 @p2 $0x1  }
0x17: {  	s4 =	simm.s32 $0x1BF5;
	[smem:$0x3FBB] =	sst s0  }
0x18: {  	s0 =	sld [smem:$0x3F9E];
	_ =	swait.ge [sflag:s4], $0x0  }
0x19: {  	s7 =	sld [smem:$0x3F9F]  }
0x1a: {  	s8 =	sadd.s32 $0xFFFFE003, lr  }
0x1b: {  	s9 =	sadd.s32 $0xFFFFFEF7, lr;
	s5 =	simm.s32 $0xFFFFFFFF;
	p2 =	slt.u32 s8, $0xFFFFF086  }
0x1c: {  	p1 =	slt.u32 s9, $0xF7A;
	s5 =	simm.s32 @!p2 $0x0  }
0x1d: {  	s5 =	simm.s32 @p1 $0x1;
	p0 =	seq.s32 s7, s2  }
0x1e: {  	s7 =	smul.u32 @!p0 $0xF7A, s2;
	p2 =	seq.s32 @!p0 s5, $0x0  }
0x1f: {  	s9 =	smul.u32 $0xF7A, s1;
	s8 =	simm.s32 @!p0 $0x1BF5;
	p2 =	por !p2, p0  }
0x20: {  	[sflag:s8] =	ssyncset.s32 @!p0 $0xFFFFF086;
	s6 =	sadd.s32 @!p0 s3, s7;
	s7 =	simm.s32 @!p0 $0x108  }
0x21: {  	s3 =	sadd.s32 s3, s9;
	s6 =	sadd.s32 @!p0 $0x88, s6;
	s7 =	simm.s32 @p2 $0x1082  }
0x22: {  	[simem:s7], [sflag:s8] =	dma.local @!p0 [hbm:s6], $0xF7A  }
0x23: {  	s9 =	sor.u32 $0xD0000000, s2;
	s6 =	simm.s32 $0x108;
	_ =	swait.ge @!p0 [sflag:s8], $0x0  }
0x24: {  	s3 =	sadd.s32 $0x88, s3;
	s6 =	simm.s32 @!p1 $0x1082;
	[sflag:s4] =	ssyncset.s32 $0xFFFFF086  }
0x25: {  	[simem:s6], [sflag:s4] =	dma.local [hbm:s3], $0xF7A  }
0x26: {  	[smem:$0x3F9F] =	sst s1;
	(tag) =	ssettag s2;
	_ =	strace s9  }
0x27: {  	s1 =	sld [smem:$0x3FAF]  }
0x28: {  	s2 =	sld [smem:$0x3FB0]  }
0x29: {  	s4 =	sld [smem:$0x3FB2]  }
0x2a: {  	p0 =	seq.s32 s5, $0x0;
	s5 =	sld [smem:$0x3FB3]  }
0x2b: {  	s6 =	sld [smem:$0x3FB4]  }
0x2c: {  	s7 =	sld [smem:$0x3FB5]  }
0x2d: {  	s3 =	simm.s32 $0x108;
	s8 =	sld [smem:$0x3FB6]  }
0x2e: {  	s3 =	simm.s32 @!p0 $0x1082;
	s9 =	sld [smem:$0x3FB7]  }
0x2f: {  	lr =	sadd.s32 s0, s3;
	s0 =	sld [smem:$0x3FAE]  }
0x30: {  	s3 =	sld [smem:$0x3FB1]  }
0x31: {  	[smem:$0x3FBA] =	sst s10  }
0x32: {  	s10 =	sld [smem:$0x3FB8];
	_ =	sdelay $0x3  }
0x33: {  	p0 =	seq.s32 s10, $0x1;
	s10 =	sld [smem:$0x3FBA];
	_ =	sdelay $0x3  }
0x34: {  	[smem:$0x3FBA] =	sst s10  }
0x35: {  	s10 =	sld [smem:$0x3FB9];
	_ =	sdelay $0x3  }
0x36: {  	p1 =	seq.s32 s10, $0x1;
	s10 =	sld [smem:$0x3FBA];
	_ =	sdelay $0x3  }
0x37: {  	[smem:$0x3FBA] =	sst s10  }
0x38: {  	s10 =	sld [smem:$0x3FBB]  }
0x39: {  	_ = 	snop;
	(pc) =	sbr.ind lr, $3  }
0x3a: {  	_ = 	snop  }
0x3b: {  	_ = 	snop  }
0x3c: {  	p2 =	seq.s32 s10, $0x1;
	s10 =	sld [smem:$0x3FBA]  }
0x3d: {  	_ =	shalt  }
0x3e: {  	_ =	shalt  }
0x3f: {  	_ =	shalt  }
0x40: {  	_ =	shalt  }
0x41: {  	_ =	shalt  }
0x42: {  	_ =	shalt  }
0x43: {  	_ =	shalt  }
0x44: {  	_ =	shalt  }
0x45: {  	_ =	shalt  }
0x46: {  	_ =	shalt  }
0x47: {  	_ =	shalt  }
0x48: {  	_ =	shalt  }
0x49: {  	_ =	shalt  }
0x4a: {  	_ =	shalt  }
0x4b: {  	_ =	shalt  }
0x4c: {  	_ =	shalt  }
0x4d: {  	_ =	shalt  }
0x4e: {  	_ =	shalt  }
0x4f: {  	_ =	shalt  }
0x50: {  	_ =	shalt  }
0x51: {  	_ =	shalt  }
0x52: {  	_ =	shalt  }
0x53: {  	_ =	shalt  }
0x54: {  	_ =	shalt  }
0x55: {  	_ =	shalt  }
0x56: {  	_ =	shalt  }
0x57: {  	_ =	shalt  }
0x58: {  	_ =	shalt  }
0x59: {  	_ =	shalt  }
0x5a: {  	_ =	shalt  }
0x5b: {  	_ =	shalt  }
0x5c: {  	_ =	shalt  }
0x5d: {  	_ =	shalt  }
0x5e: {  	_ =	shalt  }
0x5f: {  	_ =	shalt  }
0x60: {  	_ =	shalt  }
0x61: {  	_ =	shalt  }
0x62: {  	_ =	shalt  }
0x63: {  	_ =	shalt  }
0x64: {  	_ =	shalt  }
0x65: {  	_ =	shalt  }
0x66: {  	_ =	shalt  }
0x67: {  	_ =	shalt  }
0x68: {  	_ =	shalt  }
0x69: {  	_ =	shalt  }
0x6a: {  	_ =	shalt  }
0x6b: {  	_ =	shalt  }
0x6c: {  	_ =	shalt  }
0x6d: {  	_ =	shalt  }
0x6e: {  	_ =	shalt  }
0x6f: {  	_ =	shalt  }
0x70: {  	_ =	shalt  }
0x71: {  	_ =	shalt  }
0x72: {  	_ =	shalt  }
0x73: {  	_ =	shalt  }
0x74: {  	_ =	shalt  }
0x75: {  	_ =	shalt  }
0x76: {  	_ =	shalt  }
0x77: {  	_ =	shalt  }
0x78: {  	_ =	shalt  }
0x79: {  	_ =	shalt  }
0x7a: {  	_ =	shalt  }
0x7b: {  	_ =	shalt  }
0x7c: {  	_ =	shalt  }
0x7d: {  	_ =	shalt  }
0x7e: {  	_ =	shalt  }
0x7f: {  	_ =	shalt  }
0x80: {  	_ =	shalt  }
0x81: {  	_ =	shalt  }
0x82: {  	_ =	shalt  }
0x83: {  	_ =	shalt  }
0x84: {  	_ =	shalt  }
0x85: {  	_ =	shalt  }
0x86: {  	_ =	shalt  }
0x87: {  	_ =	shalt  }
.Lfunc_end0:
.L_simem_size_0:
called_computation.1_lowered:
.L_overlay_start_0:
0x88: {  	s2 =	sld [smem:$0x3FD9]  }
0x89: {  	s3 =	sld [smem:$0x3FFE];
	_ =	sdelay $0x1  }
0x8a: {  	s1 =	srdreg.scid  }
0x8b: {  	s0 =	sand.u32 $0x1, s1  }
0x8c: {  	s17 =	sshll.u32 s0, $0xA;
	s2 =	sadd.s32 s3, s2  }
0x8d: {  	s2 =	sadd.s32 s2, s17  }
0x8e: {  	[smem:$0x3FC6] =	sst s2  }
0x8f: {  	_ = 	snop  }
0x90: {  	s2 =	sld [smem:$0x3FD0];
	(tm) =	ssettm $0x1  }
0x91: {  	s18 =	sld [smem:$0x3FFB];
	_ =	sdelay $0x3  }
0x92: {  	_ =	strace s18  }
0x93: {  	s3 =	sld [smem:$0x3FFC];
	_ =	sdelay $0x3  }
0x94: {  	_ =	strace s3  }
0x95: {  	s3 =	sld [smem:$0x3FFD];
	_ =	sdelay $0x3  }
0x96: {  	_ =	strace s3  }
0x97: {  	_ =	strace $0x8FFFFFFF  }
0x98: {  	s19 =	sld [smem:$0x3FDB];
	_ =	sdelay $0x1  }
0x99: {  	s4 =	simm.s32 $_scs_section_size  }
0x9a: {  	s5 =	simm.s32 $_size__tile_overlayer_lowered;
	s6 =	simm.s32 $_tile_overlayer_lowered  }
0x9b: {  	s22 =	simm.s32 $0x1BFF;
	s21 =	sshll.u32 s6, $0x1;
	s3 =	sadd.s32 s4, s19  }
0x9c: {  	s7 =	simm.s32 $0x0;
	s20 =	sshll.u32 s5, $0x1;
	s5 =	sadd.s32 s21, s3  }
0x9d: {  	[timem:s7], [sflag:s22] =	dma.local [hbm:s5], s20  }
0x9e: {  	_ =	swait.ge [sflag:s22], s20  }
0x9f: {  	s4 =	ssub.s32 $0x0, s20;
	[sflag:s22] =	ssyncset.done $0x0  }
0xa0: {  	[sflag:s22] =	ssyncadd.s32 s4;
	_ =	sdelay $0x1  }
0xa1: {  	s23 =	simm.s32 $0x1B8B  }
0xa2: {  	_ =	swait.ge [sflag:s23], $0x1  }
0xa3: {  	[sflag:s23] =	ssyncset.done $0x0  }
0xa4: {  	s25 =	simm.s32 $0x1B8E;
	s24 =	sld [smem:$0x3FFE];
	[sflag:s23] =	ssyncadd.s32 $0xFFFFFFFF  }
0xa5: {  	s26 =	simm.s32 $execute0_lowered;
	[smem:$0x3FD2] =	sst s25  }
0xa6: {  	s5 =	sshll.u32 s26, $0x1;
	_ =	strace $0x80000046;
	[dreg:$0x1] =	wrdreg $0xFFFFFFFF  }
0xa7: {  	s28 =	simm.s32 $_size_execute0_lowered;
	s3 =	sadd.s32 s3, s5;
	[dreg:$0x0] =	wrdreg $0x0  }
0xa8: {  	s5 =	sshll.u32 s28, $0x1;
	[dreg:$0x2] =	wrdreg s3  }
0xa9: {  	[dreg:$0x3] =	wrdreg s5  }
0xaa: {  	[dreg:$0x4] =	wrdreg $0xC0  }
0xab: {  	_ =	task [dreg:s7], $0x5FFFF  }
0xac: {  	[dreg:$0x1] =	wrdreg $0xFFFFFFFF  }
0xad: {  	[dreg:$0x0] =	wrdreg $0x60  }
0xae: {  	[dreg:$0x2] =	wrdreg s24  }
0xaf: {  	[dreg:$0x3] =	wrdreg s2  }
0xb0: {  	[dreg:$0x4] =	wrdreg $0x9  }
0xb1: {  	_ =	task.clear_ibuf [dreg:s7], $0x5FFFF;
	_ =	strace $0x90000046  }
0xb2: {  	s29 =	simm.s32 $0x9;
	_ =	strace $0x80000048  }
0xb3: {  	_ =	swait.ge [sflag:s29], $0x1  }
0xb4: {  	[sflag:s29] =	ssyncadd.s32 $0xFFFFFFFF  }
0xb5: {  	_ =	strace $0x90000048  }
0xb6: {  	_ =	sfence  }
0xb7: {  	s30 =	sld [smem:$0x0];
	_ =	sdelay $0x2  }
0xb8: {  	s31 =	sshll.u32 s1, $0xD;
	s1 =	sshrl.u32 s1, $0x2  }
0xb9: {  	s3 =	sand.u32 $0x4000, s31;
	s1 =	sadd.s32 s1, s30  }
0xba: {  	s0 =	sor.u32 s3, s0;
	s1 =	sshll.u32 s1, $0x11  }
0xbb: {  	s0 =	sor.u32 s1, s0  }
0xbc: {  	s0 =	sadd.s32 $0x8F2B, s0  }
0xbd: {  	[sflag:s0] =	ssyncadd.remote.s32 $0x1  }
0xbe: {  	_ =	sfence.sel $0xFFFF  }
0xbf: {  	[dreg:$0x0] =	wrdreg $0xFFFFFFFF;
	(pc) =	sbr.abs _section_cstart, $3  }
0xc0: {  	[dreg:$0x1] =	wrdreg $0xFFFFFFFF  }
0xc1: {  	_ =	task.clear_ibuf [dreg:s7], $0x2FFFF;
	_ =	strace $0x9FFFFFFF  }
0xc2: {  	(tm) =	ssettm $0x7FFFFFFF  }
0xc3: {  	_ =	shalt  }
tec
execute0_lowered:
.L_overlay_start_1:
0x0: {  	(tag) =	ssettag $0x1  }
0x1: {  	s6 =	rddreg [dreg:$0x0]  }
0x2: {  	s2 =	rddreg [dreg:$0x1];
	s3 =	srdreg.scid  }
0x3: {  	s0 =	rddreg [dreg:$0x2];
	s7 =	sand.u32 $0x1, s3;
	s3 =	simm.s32 $0x0  }
0x4: {  	s29 =	simm.s32 $0x1080;
	[smem:$0x7FF] =	sst s3  }
0x5: {  	s30 =	simm.s32 $0x40;
	_ =	strace $0x80000047;
	[dreg:$0x4] =	wrdreg s29  }
0x6: {  	s31 =	simm.s32 $0x1480;
	[dreg:$0x5] =	wrdreg s30  }
0x7: {  	s8 =	simm.s32 $0x60;
	[dreg:$0x6] =	wrdreg s31  }
0x8: {  	s9 =	simm.s32 $0x1880;
	[dreg:$0x7] =	wrdreg s8  }
0x9: {  	s10 =	simm.s32 $0x80;
	[dreg:$0x8] =	wrdreg s9  }
0xa: {  	s11 =	simm.s32 $0x1C80;
	[dreg:$0x9] =	wrdreg s10  }
0xb: {  	s12 =	simm.s32 $0xA0;
	[dreg:$0xa] =	wrdreg s11  }
0xc: {  	s13 =	simm.s32 $0x2080;
	[dreg:$0xb] =	wrdreg s12  }
0xd: {  	s14 =	simm.s32 $0xC0;
	[dreg:$0xc] =	wrdreg s13  }
0xe: {  	s15 =	simm.s32 $0x2480;
	[dreg:$0xd] =	wrdreg s14  }
0xf: {  	s16 =	simm.s32 $0xE0;
	[dreg:$0xe] =	wrdreg s15  }
0x10: {  	s17 =	simm.s32 $0x2880;
	[dreg:$0xf] =	wrdreg s16  }
0x11: {  	s18 =	simm.s32 $0x100;
	[dreg:$0x10] =	wrdreg s17  }
0x12: {  	s19 =	simm.s32 $0x2C80;
	[dreg:$0x11] =	wrdreg s18  }
0x13: {  	s20 =	simm.s32 $0x120;
	[dreg:$0x12] =	wrdreg s19  }
0x14: {  	s21 =	simm.s32 $0x3080;
	[dreg:$0x13] =	wrdreg s20  }
0x15: {  	s22 =	simm.s32 $0x140;
	[dreg:$0x14] =	wrdreg s21  }
0x16: {  	s23 =	simm.s32 $0x3480;
	[dreg:$0x15] =	wrdreg s22  }
0x17: {  	s24 =	simm.s32 $0x160;
	[dreg:$0x16] =	wrdreg s23  }
0x18: {  	s25 =	simm.s32 $0x3880;
	[dreg:$0x17] =	wrdreg s24  }
0x19: {  	s26 =	simm.s32 $0x180;
	[dreg:$0x18] =	wrdreg s25  }
0x1a: {  	s28 =	simm.s32 $0x3C80;
	[dreg:$0x19] =	wrdreg s26  }
0x1b: {  	[dreg:$0x1a] =	wrdreg s28;
	s29 =	simm.s32 $0x1A0  }
0x1c: {  	s30 =	simm.s32 $0x4080;
	[dreg:$0x1b] =	wrdreg s29  }
0x1d: {  	s31 =	simm.s32 $0x1C0;
	[dreg:$0x1c] =	wrdreg s30  }
0x1e: {  	s8 =	simm.s32 $0x4480;
	[dreg:$0x1d] =	wrdreg s31  }
0x1f: {  	s9 =	simm.s32 $0x1E0;
	[dreg:$0x1e] =	wrdreg s8  }
0x20: {  	s10 =	simm.s32 $0x4880;
	[dreg:$0x1f] =	wrdreg s9  }
0x21: {  	s11 =	simm.s32 $0x200;
	[smem:$0x758] =	sst s10  }
0x22: {  	s12 =	simm.s32 $0x4C80;
	[smem:$0x759] =	sst s11  }
0x23: {  	s13 =	simm.s32 $0x220;
	[smem:$0x75A] =	sst s12  }
0x24: {  	s14 =	simm.s32 $0x5080;
	[smem:$0x75B] =	sst s13  }
0x25: {  	s15 =	simm.s32 $0x240;
	[smem:$0x75C] =	sst s14  }
0x26: {  	s16 =	simm.s32 $0x5480;
	[smem:$0x75D] =	sst s15  }
0x27: {  	s17 =	simm.s32 $0x260;
	[smem:$0x75E] =	sst s16  }
0x28: {  	s18 =	simm.s32 $0x5880;
	[smem:$0x75F] =	sst s17  }
0x29: {  	s19 =	simm.s32 $0x280;
	[smem:$0x760] =	sst s18  }
0x2a: {  	s20 =	simm.s32 $0x5C80;
	[smem:$0x761] =	sst s19  }
0x2b: {  	s21 =	simm.s32 $0x2A0;
	[smem:$0x762] =	sst s20  }
0x2c: {  	s22 =	simm.s32 $0x6080;
	[smem:$0x763] =	sst s21  }
0x2d: {  	s23 =	simm.s32 $0x2C0;
	[smem:$0x764] =	sst s22  }
0x2e: {  	s1 =	stileid.u32;
	s24 =	simm.s32 $0x6480;
	[smem:$0x765] =	sst s23  }
0x2f: {  	s4 =	sshll.u32 s1, $0xC;
	s25 =	simm.s32 $0x2E0;
	[smem:$0x766] =	sst s24  }
0x30: {  	s5 =	sshll.u32 s7, $0xB;
	s26 =	simm.s32 $0x6880;
	[smem:$0x767] =	sst s25  }
0x31: {  	s4 =	sor.u32 s5, s4;
	s28 =	simm.s32 $0x300;
	[smem:$0x768] =	sst s26  }
0x32: {  	s5 =	sadd.s32 s2, s4;
	[smem:$0x769] =	sst s28  }
0x33: {  	s29 =	simm.s32 $0x6C80;
	[dreg:$0x3] =	wrdreg s5  }
0x34: {  	s30 =	simm.s32 $0x320;
	[smem:$0x76A] =	sst s29  }
0x35: {  	s31 =	simm.s32 $0x7080;
	[smem:$0x76B] =	sst s30  }
0x36: {  	s8 =	simm.s32 $0x340;
	[smem:$0x76C] =	sst s31  }
0x37: {  	s9 =	simm.s32 $0x7480;
	[smem:$0x76D] =	sst s8  }
0x38: {  	s10 =	simm.s32 $0x360;
	[smem:$0x76E] =	sst s9  }
0x39: {  	s11 =	simm.s32 $0x7880;
	[smem:$0x76F] =	sst s10  }
0x3a: {  	s12 =	simm.s32 $0x380;
	[smem:$0x770] =	sst s11  }
0x3b: {  	s13 =	simm.s32 $0x7C80;
	[smem:$0x771] =	sst s12  }
0x3c: {  	s14 =	simm.s32 $0x3A0;
	[smem:$0x772] =	sst s13  }
0x3d: {  	s15 =	simm.s32 $0x8080;
	[smem:$0x773] =	sst s14  }
0x3e: {  	s16 =	simm.s32 $0x3C0;
	[smem:$0x774] =	sst s15  }
0x3f: {  	s17 =	simm.s32 $0x8480;
	[smem:$0x775] =	sst s16  }
0x40: {  	s18 =	simm.s32 $0x3E0;
	[smem:$0x776] =	sst s17  }
0x41: {  	s19 =	simm.s32 $0x8880;
	[smem:$0x777] =	sst s18  }
0x42: {  	s20 =	simm.s32 $0x8C80;
	[smem:$0x778] =	sst s19  }
0x43: {  	s21 =	simm.s32 $0x420;
	[smem:$0x779] =	sst s20  }
0x44: {  	s22 =	simm.s32 $0x9080;
	[smem:$0x77A] =	sst s21  }
0x45: {  	s23 =	simm.s32 $0x440;
	[smem:$0x77B] =	sst s22  }
0x46: {  	s24 =	simm.s32 $0x9480;
	[smem:$0x77C] =	sst s23  }
0x47: {  	s25 =	simm.s32 $0x460;
	[smem:$0x77D] =	sst s24  }
0x48: {  	s26 =	simm.s32 $0x9880;
	[smem:$0x77E] =	sst s25  }
0x49: {  	s28 =	simm.s32 $0x480;
	[smem:$0x77F] =	sst s26  }
0x4a: {  	[smem:$0x780] =	sst s28;
	s29 =	simm.s32 $0x9C80  }
0x4b: {  	s30 =	simm.s32 $0x4A0;
	[smem:$0x781] =	sst s29  }
0x4c: {  	s31 =	simm.s32 $0xA080;
	[smem:$0x782] =	sst s30  }
0x4d: {  	s8 =	simm.s32 $0x4C0;
	[smem:$0x783] =	sst s31  }
0x4e: {  	s9 =	simm.s32 $0xA480;
	[smem:$0x784] =	sst s8  }
0x4f: {  	s10 =	simm.s32 $0x4E0;
	[smem:$0x785] =	sst s9  }
0x50: {  	s11 =	simm.s32 $0xA880;
	[smem:$0x786] =	sst s10  }
0x51: {  	s12 =	simm.s32 $0x500;
	[smem:$0x787] =	sst s11  }
0x52: {  	s13 =	simm.s32 $0xAC80;
	[smem:$0x788] =	sst s12  }
0x53: {  	s14 =	simm.s32 $0x520;
	[smem:$0x789] =	sst s13  }
0x54: {  	s15 =	simm.s32 $0xB080;
	[smem:$0x78A] =	sst s14  }
0x55: {  	s16 =	simm.s32 $0x540;
	[smem:$0x78B] =	sst s15  }
0x56: {  	s17 =	simm.s32 $0xB480;
	[smem:$0x78C] =	sst s16  }
0x57: {  	s18 =	simm.s32 $0x560;
	[smem:$0x78D] =	sst s17  }
0x58: {  	s19 =	simm.s32 $0xB880;
	[smem:$0x78E] =	sst s18  }
0x59: {  	s20 =	simm.s32 $0x580;
	[smem:$0x78F] =	sst s19  }
0x5a: {  	s21 =	simm.s32 $0xBC80;
	[smem:$0x790] =	sst s20  }
0x5b: {  	s22 =	simm.s32 $0x5A0;
	[smem:$0x791] =	sst s21  }
0x5c: {  	s23 =	simm.s32 $0xC080;
	[smem:$0x792] =	sst s22  }
0x5d: {  	s24 =	simm.s32 $0x5C0;
	[smem:$0x793] =	sst s23  }
0x5e: {  	s25 =	simm.s32 $0xC480;
	[smem:$0x794] =	sst s24  }
0x5f: {  	s26 =	simm.s32 $0x5E0;
	[smem:$0x795] =	sst s25  }
0x60: {  	s28 =	simm.s32 $0xC880;
	[smem:$0x796] =	sst s26  }
0x61: {  	[smem:$0x797] =	sst s28;
	s29 =	simm.s32 $0x600  }
0x62: {  	s30 =	simm.s32 $0xCC80;
	[smem:$0x798] =	sst s29  }
0x63: {  	s31 =	simm.s32 $0x620;
	[smem:$0x799] =	sst s30  }
0x64: {  	s8 =	simm.s32 $0xD080;
	[smem:$0x79A] =	sst s31  }
0x65: {  	s9 =	simm.s32 $0x660;
	[smem:$0x79B] =	sst s8  }
0x66: {  	s10 =	simm.s32 $0xD880;
	[smem:$0x79C] =	sst s9  }
0x67: {  	s11 =	simm.s32 $0x680;
	[smem:$0x79D] =	sst s10  }
0x68: {  	s12 =	simm.s32 $0xDC80;
	[smem:$0x79E] =	sst s11  }
0x69: {  	s13 =	simm.s32 $0x6A0;
	[smem:$0x79F] =	sst s12  }
0x6a: {  	s14 =	simm.s32 $0xE080;
	[smem:$0x7A0] =	sst s13  }
0x6b: {  	s15 =	simm.s32 $0x6C0;
	[smem:$0x7A1] =	sst s14  }
0x6c: {  	s16 =	simm.s32 $0xE480;
	[smem:$0x7A2] =	sst s15  }
0x6d: {  	s17 =	simm.s32 $0x6E0;
	[smem:$0x7A3] =	sst s16  }
0x6e: {  	s18 =	simm.s32 $0xE880;
	[smem:$0x7A4] =	sst s17  }
0x6f: {  	s19 =	simm.s32 $0x700;
	[smem:$0x7A5] =	sst s18  }
0x70: {  	s20 =	simm.s32 $0xEC80;
	[smem:$0x7A6] =	sst s19  }
0x71: {  	s21 =	simm.s32 $0x720;
	[smem:$0x7A7] =	sst s20  }
0x72: {  	s22 =	simm.s32 $0xF080;
	[smem:$0x7A8] =	sst s21  }
0x73: {  	s23 =	simm.s32 $0x740;
	[smem:$0x7A9] =	sst s22  }
0x74: {  	s24 =	simm.s32 $0xF480;
	[smem:$0x7AA] =	sst s23  }
0x75: {  	s25 =	simm.s32 $0x760;
	[smem:$0x7AB] =	sst s24  }
0x76: {  	s26 =	simm.s32 $0xF880;
	[smem:$0x7AC] =	sst s25  }
0x77: {  	s28 =	simm.s32 $0x780;
	[smem:$0x7AD] =	sst s26  }
0x78: {  	[smem:$0x7AE] =	sst s28;
	s29 =	simm.s32 $0xFC80  }
0x79: {  	s30 =	simm.s32 $0x7A0;
	[smem:$0x7AF] =	sst s29  }
0x7a: {  	s31 =	simm.s32 $0x10080;
	[smem:$0x7B0] =	sst s30  }
0x7b: {  	s8 =	simm.s32 $0x7C0;
	[smem:$0x7B1] =	sst s31  }
0x7c: {  	s9 =	simm.s32 $0x10480;
	[smem:$0x7B2] =	sst s8  }
0x7d: {  	s10 =	simm.s32 $0x7E0;
	[smem:$0x7B3] =	sst s9  }
0x7e: {  	s11 =	simm.s32 $0x10880;
	[smem:$0x7B4] =	sst s10  }
0x7f: {  	s12 =	simm.s32 $0x800;
	[smem:$0x7B5] =	sst s11  }
0x80: {  	s13 =	simm.s32 $0x10C80;
	[smem:$0x7B6] =	sst s12  }
0x81: {  	s14 =	simm.s32 $0x820;
	[smem:$0x7B7] =	sst s13  }
0x82: {  	s15 =	simm.s32 $0x11080;
	[smem:$0x7B8] =	sst s14  }
0x83: {  	s16 =	simm.s32 $0x840;
	[smem:$0x7B9] =	sst s15  }
0x84: {  	s17 =	simm.s32 $0x11480;
	[smem:$0x7BA] =	sst s16  }
0x85: {  	s18 =	simm.s32 $0x860;
	[smem:$0x7BB] =	sst s17  }
0x86: {  	s19 =	simm.s32 $0x11880;
	[smem:$0x7BC] =	sst s18  }
0x87: {  	s20 =	simm.s32 $0x880;
	[smem:$0x7BD] =	sst s19  }
0x88: {  	s21 =	simm.s32 $0x11C80;
	[smem:$0x7BE] =	sst s20  }
0x89: {  	s22 =	simm.s32 $0x8A0;
	[smem:$0x7BF] =	sst s21  }
0x8a: {  	s23 =	simm.s32 $0x12080;
	[smem:$0x7C0] =	sst s22  }
0x8b: {  	s24 =	simm.s32 $0x8C0;
	[smem:$0x7C1] =	sst s23  }
0x8c: {  	s25 =	simm.s32 $0x12480;
	[smem:$0x7C2] =	sst s24  }
0x8d: {  	s26 =	simm.s32 $0x8E0;
	[smem:$0x7C3] =	sst s25  }
0x8e: {  	s28 =	simm.s32 $0x12880;
	[smem:$0x7C4] =	sst s26  }
0x8f: {  	[smem:$0x7C5] =	sst s28;
	s29 =	simm.s32 $0x900  }
0x90: {  	s30 =	simm.s32 $0x12C80;
	[smem:$0x7C6] =	sst s29  }
0x91: {  	s31 =	simm.s32 $0x920;
	[smem:$0x7C7] =	sst s30  }
0x92: {  	s8 =	simm.s32 $0x13080;
	[smem:$0x7C8] =	sst s31  }
0x93: {  	s9 =	simm.s32 $0x940;
	[smem:$0x7C9] =	sst s8  }
0x94: {  	s10 =	simm.s32 $0x13480;
	[smem:$0x7CA] =	sst s9  }
0x95: {  	s11 =	simm.s32 $0x960;
	[smem:$0x7CB] =	sst s10  }
0x96: {  	s12 =	simm.s32 $0x13880;
	[smem:$0x7CC] =	sst s11  }
0x97: {  	s13 =	simm.s32 $0x980;
	[smem:$0x7CD] =	sst s12  }
0x98: {  	s14 =	simm.s32 $0x13C80;
	[smem:$0x7CE] =	sst s13  }
0x99: {  	s15 =	simm.s32 $0x9A0;
	[smem:$0x7CF] =	sst s14  }
0x9a: {  	s16 =	simm.s32 $0x14080;
	[smem:$0x7D0] =	sst s15  }
0x9b: {  	s17 =	simm.s32 $0x9C0;
	[smem:$0x7D1] =	sst s16  }
0x9c: {  	s18 =	simm.s32 $0x14480;
	[smem:$0x7D2] =	sst s17  }
0x9d: {  	s19 =	simm.s32 $0x9E0;
	[smem:$0x7D3] =	sst s18  }
0x9e: {  	s20 =	simm.s32 $0x14880;
	[smem:$0x7D4] =	sst s19  }
0x9f: {  	s21 =	simm.s32 $0xA00;
	[smem:$0x7D5] =	sst s20  }
0xa0: {  	s22 =	simm.s32 $0x14C80;
	[smem:$0x7D6] =	sst s21  }
0xa1: {  	s23 =	simm.s32 $0xA20;
	[smem:$0x7D7] =	sst s22  }
0xa2: {  	s24 =	simm.s32 $0x15080;
	[smem:$0x7D8] =	sst s23  }
0xa3: {  	s25 =	simm.s32 $0xA40;
	[smem:$0x7D9] =	sst s24  }
0xa4: {  	s26 =	simm.s32 $0x15480;
	[smem:$0x7DA] =	sst s25  }
0xa5: {  	s28 =	simm.s32 $0xA60;
	[smem:$0x7DB] =	sst s26  }
0xa6: {  	[smem:$0x7DC] =	sst s28;
	s29 =	simm.s32 $0x15880  }
0xa7: {  	s30 =	simm.s32 $0xA80;
	[smem:$0x7DD] =	sst s29  }
0xa8: {  	s31 =	simm.s32 $0x15C80;
	[smem:$0x7DE] =	sst s30  }
0xa9: {  	s8 =	simm.s32 $0xAA0;
	[smem:$0x7DF] =	sst s31  }
0xaa: {  	s9 =	simm.s32 $0x16080;
	[smem:$0x7E0] =	sst s8  }
0xab: {  	s10 =	simm.s32 $0xAC0;
	[smem:$0x7E1] =	sst s9  }
0xac: {  	s11 =	simm.s32 $0x16480;
	[smem:$0x7E2] =	sst s10  }
0xad: {  	s12 =	simm.s32 $0xAE0;
	[smem:$0x7E3] =	sst s11  }
0xae: {  	s13 =	simm.s32 $0x16880;
	[smem:$0x7E4] =	sst s12  }
0xaf: {  	s14 =	simm.s32 $0xB00;
	[smem:$0x7E5] =	sst s13  }
0xb0: {  	s15 =	simm.s32 $0x16C80;
	[smem:$0x7E6] =	sst s14  }
0xb1: {  	s16 =	simm.s32 $0x17080;
	[smem:$0x7E7] =	sst s15  }
0xb2: {  	s17 =	simm.s32 $0xB40;
	[smem:$0x7E9] =	sst s16  }
0xb3: {  	s18 =	simm.s32 $0x17480;
	[smem:$0x7EA] =	sst s17  }
0xb4: {  	s19 =	simm.s32 $0xB60;
	[smem:$0x7EB] =	sst s18  }
0xb5: {  	s20 =	simm.s32 $0x17880;
	[smem:$0x7EC] =	sst s19  }
0xb6: {  	s22 =	simm.s32 $0xB80;
	[smem:$0x7ED] =	sst s20  }
0xb7: {  	s23 =	simm.s32 $0x17C80;
	[smem:$0x7EE] =	sst s22  }
0xb8: {  	s5 =	sadd.s32 $0xA00, s6;
	s24 =	simm.s32 $0xBA0;
	[smem:$0x7EF] =	sst s23  }
0xb9: {  	s6 =	sadd.s32 $0xF43000, s6;
	s25 =	simm.s32 $0x18080;
	[smem:$0x7F0] =	sst s24  }
0xba: {  	s21 =	sshll.u32 s1, $0xA;
	s26 =	simm.s32 $0x18480;
	[smem:$0x7F1] =	sst s25  }
0xbb: {  	s28 =	simm.s32 $0xBE0;
	s8 =	simm.s32 $0xB20;
	[smem:$0x7F3] =	sst s26  }
0xbc: {  	s9 =	ssub.s32 $0x2, s7;
	s7 =	sshll.u32 s7, $0x9;
	[smem:$0x7F4] =	sst s28  }
0xbd: {  	s11 =	simm.s32 $0xBC0;
	s12 =	simm.s32 $0x18880;
	[smem:$0x7E8] =	sst s8  }
0xbe: {  	s30 =	simm.s32 $0xC00;
	s13 =	simm.s32 $0x18C80;
	[smem:$0x7F2] =	sst s11  }
0xbf: {  	s14 =	simm.s32 $0xC20;
	s15 =	simm.s32 $0x19080;
	[smem:$0x7F5] =	sst s12  }
0xc0: {  	s16 =	simm.s32 $0xC40;
	s17 =	simm.s32 $0x19480;
	[smem:$0x7F6] =	sst s30  }
0xc1: {  	s18 =	simm.s32 $0xC60;
	s31 =	simm.s32 $0x19880;
	[smem:$0x7F7] =	sst s13  }
0xc2: {  	s19 =	simm.s32 $0x80000;
	s20 =	simm.s32 $0x2;
	[smem:$0x7F8] =	sst s14  }
0xc3: {  	s22 =	simm.s32 $0x0;
	s10 =	sshrl.u32 s9, $0x1;
	[smem:$0x7F9] =	sst s15  }
0xc4: {  	s7 =	sor.u32 s7, s21;
	s11 =	simm.s32 $0x20;
	[smem:$0x7FA] =	sst s16  }
0xc5: {  	s12 =	simm.s32 $0x4000;
	s13 =	simm.s32 $0x5;
	[smem:$0x7FB] =	sst s17  }
0xc6: {  	s14 =	simm.s32 $0xC80;
	s15 =	simm.s32 $0x400;
	[smem:$0x7FC] =	sst s18  }
0xc7: {  	s16 =	simm.s32 $0x640;
	s17 =	simm.s32 $0xD480;
	[smem:$0x7FD] =	sst s31  }
0xc8: {  	s18 =	simm.s32 $0x1;
	s9 =	ssub.s32 s9, s10;
	s10 =	sshll.u32 s7, $0x2  }
0xc9: {  	s21 =	simm.s32 $0x3;
	s29 =	sshrl.u32 s7, $0x3;
	s10 =	sadd.s32 s10, s2  }
0xca: {  	s9 =	smax.u32 s9, $0x1;
	s8 =	sadd.s32 $0x780, s10;
	s10 =	sadd.s32 s29, s5  }
.LBB2_1:
0xcb: {  	s23 =	simm.s32 $0x20;
	s24 =	smov.u32 s10;
	s25 =	simm.s32 $0x0  }
.LBB2_2:
0xcc: {  	p0 =	seq.s32 s25, $0x0  }
0xcd: {  	s26 =	simm.s32 @!p0 $0x3  }
0xce: {  	_ =	swait.ge @!p0 [sflag:s26], $0xC800  }
0xcf: {  	[sflag:s26] =	ssyncset.done @!p0 $0x0  }
0xd0: {  	[sflag:s26] =	ssyncadd.s32 @!p0 $0xFFFF3800  }
0xd1: {  	[tilespmem:s3], [sflag:$0x5] =	stream.strided.gather [hbm4b:s24+s11], $0x640, s12, s11, $0x38;
	[tilespmem:$0x19C80] =	vst v63  }
0xd2: {  	_ =	swait.ge [sflag:s13], $0x640  }
0xd3: {  	s30 =	rddreg [dreg:$0x4]  }
0xd4: {  	s31 =	rddreg [dreg:$0x5]  }
0xd5: {  	[sflag:s13] =	ssyncset.done $0x0;
	s28 =	rddreg [dreg:$0x6]  }
0xd6: {  	s29 =	rddreg [dreg:$0x7];
	[sflag:s13] =	ssyncadd.s32 $0xFFFFF9C0  }
0xd7: {  	[tilespmem:s14], [sflag:$0x1] =	stream.indirect.gather [hbm4b:s6+s11], $0x20, s3, s11, $0xb8;
	[tilespmem:$0x19C80] =	vst v63  }
0xd8: {  	s26 =	rddreg [dreg:$0x9]  }
0xd9: {  	[tilespmem:s30], [sflag:$0x1] =	stream.indirect.gather [hbm4b:s6+s11], $0x20, s11, s11, $0xb8;
	[tilespmem:$0x19C80] =	vst v63  }
0xda: {  	s30 =	rddreg [dreg:$0x8]  }
0xdb: {  	[tilespmem:s28], [sflag:$0x1] =	stream.indirect.gather [hbm4b:s6+s11], $0x20, s31, s11, $0xb8;
	[tilespmem:$0x19C80] =	vst v63  }
0xdc: {  	s28 =	rddreg [dreg:$0xa]  }
0xdd: {  	s31 =	rddreg [dreg:$0xc]  }
0xde: {  	[tilespmem:s30], [sflag:$0x1] =	stream.indirect.gather [hbm4b:s6+s11], $0x20, s29, s11, $0xb8;
	[tilespmem:$0x19C80] =	vst v63  }
0xdf: {  	s29 =	rddreg [dreg:$0xb]  }
0xe0: {  	s30 =	sld [smem:$0x77B]  }
0xe1: {  	[tilespmem:s28], [sflag:$0x1] =	stream.indirect.gather [hbm4b:s6+s11], $0x20, s26, s11, $0xb8;
	[tilespmem:$0x19C80] =	vst v63  }
0xe2: {  	s26 =	rddreg [dreg:$0xd]  }
0xe3: {  	s28 =	rddreg [dreg:$0xe]  }
0xe4: {  	[tilespmem:s31], [sflag:$0x1] =	stream.indirect.gather [hbm4b:s6+s11], $0x20, s29, s11, $0xb8;
	[tilespmem:$0x19C80] =	vst v63  }
0xe5: {  	s29 =	rddreg [dreg:$0xf]  }
0xe6: {  	s31 =	rddreg [dreg:$0x10]  }
0xe7: {  	[tilespmem:s28], [sflag:$0x1] =	stream.indirect.gather [hbm4b:s6+s11], $0x20, s26, s11, $0xb8;
	[tilespmem:$0x19C80] =	vst v63  }
0xe8: {  	s26 =	rddreg [dreg:$0x11]  }
0xe9: {  	s28 =	rddreg [dreg:$0x12]  }
0xea: {  	[tilespmem:s31], [sflag:$0x1] =	stream.indirect.gather [hbm4b:s6+s11], $0x20, s29, s11, $0xb8;
	[tilespmem:$0x19C80] =	vst v63  }
0xeb: {  	s29 =	rddreg [dreg:$0x13]  }
0xec: {  	s31 =	rddreg [dreg:$0x14]  }
0xed: {  	[tilespmem:s28], [sflag:$0x1] =	stream.indirect.gather [hbm4b:s6+s11], $0x20, s26, s11, $0xb8;
	[tilespmem:$0x19C80] =	vst v63  }
0xee: {  	s26 =	rddreg [dreg:$0x15]  }
0xef: {  	s28 =	rddreg [dreg:$0x16]  }
0xf0: {  	[tilespmem:s31], [sflag:$0x1] =	stream.indirect.gather [hbm4b:s6+s11], $0x20, s29, s11, $0xb8;
	[tilespmem:$0x19C80] =	vst v63  }
0xf1: {  	s29 =	rddreg [dreg:$0x17]  }
0xf2: {  	s31 =	rddreg [dreg:$0x18]  }
0xf3: {  	[tilespmem:s28], [sflag:$0x1] =	stream.indirect.gather [hbm4b:s6+s11], $0x20, s26, s11, $0xb8;
	[tilespmem:$0x19C80] =	vst v63  }
0xf4: {  	s26 =	rddreg [dreg:$0x19]  }
0xf5: {  	s28 =	rddreg [dreg:$0x1a]  }
0xf6: {  	[tilespmem:s31], [sflag:$0x1] =	stream.indirect.gather [hbm4b:s6+s11], $0x20, s29, s11, $0xb8;
	[tilespmem:$0x19C80] =	vst v63  }
0xf7: {  	s29 =	rddreg [dreg:$0x1b]  }
0xf8: {  	s31 =	rddreg [dreg:$0x1c]  }
0xf9: {  	[tilespmem:s28], [sflag:$0x1] =	stream.indirect.gather [hbm4b:s6+s11], $0x20, s26, s11, $0xb8;
	[tilespmem:$0x19C80] =	vst v63  }
0xfa: {  	s26 =	rddreg [dreg:$0x1d]  }
0xfb: {  	s28 =	rddreg [dreg:$0x1e]  }
0xfc: {  	[tilespmem:s31], [sflag:$0x1] =	stream.indirect.gather [hbm4b:s6+s11], $0x20, s29, s11, $0xb8;
	[tilespmem:$0x19C80] =	vst v63  }
0xfd: {  	s29 =	rddreg [dreg:$0x1f]  }
0xfe: {  	s31 =	sld [smem:$0x758]  }
0xff: {  	[tilespmem:s28], [sflag:$0x1] =	stream.indirect.gather [hbm4b:s6+s11], $0x20, s26, s11, $0xb8;
	[tilespmem:$0x19C80] =	vst v63  }
0x100: {  	s26 =	sld [smem:$0x759]  }
0x101: {  	s28 =	sld [smem:$0x75A]  }
0x102: {  	[tilespmem:s31], [sflag:$0x1] =	stream.indirect.gather [hbm4b:s6+s11], $0x20, s29, s11, $0xb8;
	[tilespmem:$0x19C80] =	vst v63  }
0x103: {  	s29 =	sld [smem:$0x75B]  }
0x104: {  	s31 =	sld [smem:$0x75C]  }
0x105: {  	[tilespmem:s28], [sflag:$0x1] =	stream.indirect.gather [hbm4b:s6+s11], $0x20, s26, s11, $0xb8;
	[tilespmem:$0x19C80] =	vst v63  }
0x106: {  	s26 =	sld [smem:$0x75D]  }
0x107: {  	s28 =	sld [smem:$0x75E]  }
0x108: {  	[tilespmem:s31], [sflag:$0x1] =	stream.indirect.gather [hbm4b:s6+s11], $0x20, s29, s11, $0xb8;
	[tilespmem:$0x19C80] =	vst v63  }
0x109: {  	s29 =	sld [smem:$0x75F]  }
0x10a: {  	s31 =	sld [smem:$0x760]  }
0x10b: {  	[tilespmem:s28], [sflag:$0x1] =	stream.indirect.gather [hbm4b:s6+s11], $0x20, s26, s11, $0xb8;
	[tilespmem:$0x19C80] =	vst v63  }
0x10c: {  	s26 =	sld [smem:$0x761]  }
0x10d: {  	s28 =	sld [smem:$0x762]  }
0x10e: {  	[tilespmem:s31], [sflag:$0x1] =	stream.indirect.gather [hbm4b:s6+s11], $0x20, s29, s11, $0xb8;
	[tilespmem:$0x19C80] =	vst v63  }
0x10f: {  	s29 =	sld [smem:$0x763]  }
0x110: {  	s31 =	sld [smem:$0x764]  }
0x111: {  	[tilespmem:s28], [sflag:$0x1] =	stream.indirect.gather [hbm4b:s6+s11], $0x20, s26, s11, $0xb8;
	[tilespmem:$0x19C80] =	vst v63  }
0x112: {  	s26 =	sld [smem:$0x765]  }
0x113: {  	s28 =	sld [smem:$0x766]  }
0x114: {  	[tilespmem:s31], [sflag:$0x1] =	stream.indirect.gather [hbm4b:s6+s11], $0x20, s29, s11, $0xb8;
	[tilespmem:$0x19C80] =	vst v63  }
0x115: {  	s29 =	sld [smem:$0x767]  }
0x116: {  	s31 =	sld [smem:$0x768]  }
0x117: {  	[tilespmem:s28], [sflag:$0x1] =	stream.indirect.gather [hbm4b:s6+s11], $0x20, s26, s11, $0xb8;
	[tilespmem:$0x19C80] =	vst v63  }
0x118: {  	s26 =	sld [smem:$0x769]  }
0x119: {  	s28 =	sld [smem:$0x76A]  }
0x11a: {  	[tilespmem:s31], [sflag:$0x1] =	stream.indirect.gather [hbm4b:s6+s11], $0x20, s29, s11, $0xb8;
	[tilespmem:$0x19C80] =	vst v63  }
0x11b: {  	s29 =	sld [smem:$0x76B]  }
0x11c: {  	s31 =	sld [smem:$0x76C]  }
0x11d: {  	[tilespmem:s28], [sflag:$0x1] =	stream.indirect.gather [hbm4b:s6+s11], $0x20, s26, s11, $0xb8;
	[tilespmem:$0x19C80] =	vst v63  }
0x11e: {  	s26 =	sld [smem:$0x76D]  }
0x11f: {  	s28 =	sld [smem:$0x76E]  }
0x120: {  	[tilespmem:s31], [sflag:$0x1] =	stream.indirect.gather [hbm4b:s6+s11], $0x20, s29, s11, $0xb8;
	[tilespmem:$0x19C80] =	vst v63  }
0x121: {  	s29 =	sld [smem:$0x76F]  }
0x122: {  	s31 =	sld [smem:$0x770]  }
0x123: {  	[tilespmem:s28], [sflag:$0x1] =	stream.indirect.gather [hbm4b:s6+s11], $0x20, s26, s11, $0xb8;
	[tilespmem:$0x19C80] =	vst v63  }
0x124: {  	s26 =	sld [smem:$0x771]  }
0x125: {  	s28 =	sld [smem:$0x772]  }
0x126: {  	[tilespmem:s31], [sflag:$0x1] =	stream.indirect.gather [hbm4b:s6+s11], $0x20, s29, s11, $0xb8;
	[tilespmem:$0x19C80] =	vst v63  }
0x127: {  	s29 =	sld [smem:$0x773]  }
0x128: {  	s31 =	sld [smem:$0x774]  }
0x129: {  	[tilespmem:s28], [sflag:$0x1] =	stream.indirect.gather [hbm4b:s6+s11], $0x20, s26, s11, $0xb8;
	[tilespmem:$0x19C80] =	vst v63  }
0x12a: {  	s26 =	sld [smem:$0x775]  }
0x12b: {  	s28 =	sld [smem:$0x776]  }
0x12c: {  	[tilespmem:s31], [sflag:$0x1] =	stream.indirect.gather [hbm4b:s6+s11], $0x20, s29, s11, $0xb8;
	[tilespmem:$0x19C80] =	vst v63  }
0x12d: {  	s29 =	sld [smem:$0x777]  }
0x12e: {  	s31 =	sld [smem:$0x778]  }
0x12f: {  	[tilespmem:s28], [sflag:$0x1] =	stream.indirect.gather [hbm4b:s6+s11], $0x20, s26, s11, $0xb8;
	[tilespmem:$0x19C80] =	vst v63  }
0x130: {  	s26 =	sld [smem:$0x779]  }
0x131: {  	s28 =	sld [smem:$0x77D]  }
0x132: {  	[tilespmem:s31], [sflag:$0x1] =	stream.indirect.gather [hbm4b:s6+s11], $0x20, s29, s11, $0xb8;
	[tilespmem:$0x19C80] =	vst v63  }
0x133: {  	s31 =	sld [smem:$0x77A]  }
0x134: {  	s29 =	sld [smem:$0x77E]  }
0x135: {  	[tilespmem:s26], [sflag:$0x1] =	stream.indirect.gather [hbm4b:s6+s11], $0x20, s15, s11, $0xb8;
	[tilespmem:$0x19C80] =	vst v63  }
0x136: {  	s26 =	sld [smem:$0x77C]  }
0x137: {  	[tilespmem:s30], [sflag:$0x1] =	stream.indirect.gather [hbm4b:s6+s11], $0x20, s31, s11, $0xb8;
	[tilespmem:$0x19C80] =	vst v63  }
0x138: {  	s31 =	sld [smem:$0x77F]  }
0x139: {  	[tilespmem:s28], [sflag:$0x1] =	stream.indirect.gather [hbm4b:s6+s11], $0x20, s26, s11, $0xb8;
	[tilespmem:$0x19C80] =	vst v63  }
0x13a: {  	s26 =	sld [smem:$0x780]  }
0x13b: {  	s28 =	sld [smem:$0x781]  }
0x13c: {  	[tilespmem:s31], [sflag:$0x1] =	stream.indirect.gather [hbm4b:s6+s11], $0x20, s29, s11, $0xb8;
	[tilespmem:$0x19C80] =	vst v63  }
0x13d: {  	s29 =	sld [smem:$0x782]  }
0x13e: {  	s31 =	sld [smem:$0x783]  }
0x13f: {  	[tilespmem:s28], [sflag:$0x1] =	stream.indirect.gather [hbm4b:s6+s11], $0x20, s26, s11, $0xb8;
	[tilespmem:$0x19C80] =	vst v63  }
0x140: {  	s26 =	sld [smem:$0x784]  }
0x141: {  	s28 =	sld [smem:$0x785]  }
0x142: {  	[tilespmem:s31], [sflag:$0x1] =	stream.indirect.gather [hbm4b:s6+s11], $0x20, s29, s11, $0xb8;
	[tilespmem:$0x19C80] =	vst v63  }
0x143: {  	s29 =	sld [smem:$0x786]  }
0x144: {  	s31 =	sld [smem:$0x787]  }
0x145: {  	[tilespmem:s28], [sflag:$0x1] =	stream.indirect.gather [hbm4b:s6+s11], $0x20, s26, s11, $0xb8;
	[tilespmem:$0x19C80] =	vst v63  }
0x146: {  	s26 =	sld [smem:$0x788]  }
0x147: {  	s28 =	sld [smem:$0x789]  }
0x148: {  	[tilespmem:s31], [sflag:$0x1] =	stream.indirect.gather [hbm4b:s6+s11], $0x20, s29, s11, $0xb8;
	[tilespmem:$0x19C80] =	vst v63  }
0x149: {  	s29 =	sld [smem:$0x78A]  }
0x14a: {  	s31 =	sld [smem:$0x78B]  }
0x14b: {  	[tilespmem:s28], [sflag:$0x1] =	stream.indirect.gather [hbm4b:s6+s11], $0x20, s26, s11, $0xb8;
	[tilespmem:$0x19C80] =	vst v63  }
0x14c: {  	s26 =	sld [smem:$0x78C]  }
0x14d: {  	s28 =	sld [smem:$0x78D]  }
0x14e: {  	[tilespmem:s31], [sflag:$0x1] =	stream.indirect.gather [hbm4b:s6+s11], $0x20, s29, s11, $0xb8;
	[tilespmem:$0x19C80] =	vst v63  }
0x14f: {  	s29 =	sld [smem:$0x78E]  }
0x150: {  	s31 =	sld [smem:$0x78F]  }
0x151: {  	[tilespmem:s28], [sflag:$0x1] =	stream.indirect.gather [hbm4b:s6+s11], $0x20, s26, s11, $0xb8;
	[tilespmem:$0x19C80] =	vst v63  }
0x152: {  	s26 =	sld [smem:$0x790]  }
0x153: {  	s28 =	sld [smem:$0x791]  }
0x154: {  	[tilespmem:s31], [sflag:$0x1] =	stream.indirect.gather [hbm4b:s6+s11], $0x20, s29, s11, $0xb8;
	[tilespmem:$0x19C80] =	vst v63  }
0x155: {  	s29 =	sld [smem:$0x792]  }
0x156: {  	s31 =	sld [smem:$0x793]  }
0x157: {  	[tilespmem:s28], [sflag:$0x1] =	stream.indirect.gather [hbm4b:s6+s11], $0x20, s26, s11, $0xb8;
	[tilespmem:$0x19C80] =	vst v63  }
0x158: {  	s26 =	sld [smem:$0x794]  }
0x159: {  	s28 =	sld [smem:$0x795]  }
0x15a: {  	[tilespmem:s31], [sflag:$0x1] =	stream.indirect.gather [hbm4b:s6+s11], $0x20, s29, s11, $0xb8;
	[tilespmem:$0x19C80] =	vst v63  }
0x15b: {  	s29 =	sld [smem:$0x796]  }
0x15c: {  	s31 =	sld [smem:$0x797]  }
0x15d: {  	[tilespmem:s28], [sflag:$0x1] =	stream.indirect.gather [hbm4b:s6+s11], $0x20, s26, s11, $0xb8;
	[tilespmem:$0x19C80] =	vst v63  }
0x15e: {  	s26 =	sld [smem:$0x798]  }
0x15f: {  	s28 =	sld [smem:$0x799]  }
0x160: {  	[tilespmem:s31], [sflag:$0x1] =	stream.indirect.gather [hbm4b:s6+s11], $0x20, s29, s11, $0xb8;
	[tilespmem:$0x19C80] =	vst v63  }
0x161: {  	s29 =	sld [smem:$0x79A]  }
0x162: {  	s31 =	sld [smem:$0x79B]  }
0x163: {  	[tilespmem:s28], [sflag:$0x1] =	stream.indirect.gather [hbm4b:s6+s11], $0x20, s26, s11, $0xb8;
	[tilespmem:$0x19C80] =	vst v63  }
0x164: {  	s26 =	simm.s32 @!p0 $0x2;
	s28 =	sadd.s32 @!p0 s25, s4  }
0x165: {  	[tilespmem:s31], [sflag:$0x1] =	stream.indirect.gather [hbm4b:s6+s11], $0x20, s29, s11, $0xb8;
	[tilespmem:$0x19C80] =	vst v63  }
0x166: {  	s30 =	simm.s32 @!p0 $0xD480;
	s28 =	sadd.s32 @!p0 $0x1FFFFF80, s28;
	_ =	swait.ge @!p0 [sflag:s26], $0xC800  }
0x167: {  	s28 =	sand.u32 @!p0 $0x1FFFFF80, s28;
	s29 =	simm.s32 @!p0 $0x80000;
	[sflag:s26] =	ssyncset.done @!p0 $0x0  }
0x168: {  	[sflag:s26] =	ssyncadd.s32 @!p0 $0xFFFF3800;
	s26 =	sadd.s32 @!p0 s2, s28;
	s28 =	simm.s32 @!p0 $0x400  }
0x169: {  	[hbm4b:s26+s28] =	stream.strided.scatter @!p0 [tilespmem:s30], [sflag:$0x4], $0xC800, s29, s28, $0x38;
	[tilespmem:$0x19C80] =	vst v63  }
0x16a: {  	s26 =	smov.u32 s23  }
0x16b: {  	s28 =	simm.s32 @!p0 $0x4;
	s26 =	simm.s32 @p0 $0x20  }
0x16c: {  	_ =	swait.ge @!p0 [sflag:s28], $0xC800;
	s26 =	sor.u32 s7, s26  }
0x16d: {  	[sflag:s28] =	ssyncset.done @!p0 $0x0;
	s26 =	sshrl.u32 s26, $0x3  }
0x16e: {  	[sflag:s28] =	ssyncadd.s32 @!p0 $0xFFFF3800;
	s26 =	sadd.s32 s5, s26  }
0x16f: {  	[tilespmem:s16], [sflag:$0x5] =	stream.strided.gather [hbm4b:s26+s11], $0x640, s12, s11, $0x38;
	[tilespmem:$0x19C80] =	vst v63  }
0x170: {  	_ =	swait.ge [sflag:s13], $0x640  }
0x171: {  	s29 =	sld [smem:$0x79C]  }
0x172: {  	s30 =	sld [smem:$0x79D]  }
0x173: {  	[sflag:s13] =	ssyncset.done $0x0;
	s26 =	sld [smem:$0x79E]  }
0x174: {  	s28 =	sld [smem:$0x79F];
	[sflag:s13] =	ssyncadd.s32 $0xFFFFF9C0  }
0x175: {  	[tilespmem:s17], [sflag:$0x2] =	stream.indirect.gather [hbm4b:s6+s11], $0x20, s16, s11, $0xb8;
	[tilespmem:$0x19C80] =	vst v63  }
0x176: {  	s31 =	sld [smem:$0x7A1]  }
0x177: {  	[tilespmem:s30], [sflag:$0x2] =	stream.indirect.gather [hbm4b:s6+s11], $0x20, s29, s11, $0xb8;
	[tilespmem:$0x19C80] =	vst v63  }
0x178: {  	s29 =	sld [smem:$0x7A0]  }
0x179: {  	[tilespmem:s28], [sflag:$0x2] =	stream.indirect.gather [hbm4b:s6+s11], $0x20, s26, s11, $0xb8;
	[tilespmem:$0x19C80] =	vst v63  }
0x17a: {  	s26 =	sld [smem:$0x7A2]  }
0x17b: {  	s28 =	sld [smem:$0x7A3]  }
0x17c: {  	[tilespmem:s31], [sflag:$0x2] =	stream.indirect.gather [hbm4b:s6+s11], $0x20, s29, s11, $0xb8;
	[tilespmem:$0x19C80] =	vst v63  }
0x17d: {  	s29 =	sld [smem:$0x7A4]  }
0x17e: {  	s31 =	sld [smem:$0x7A5]  }
0x17f: {  	[tilespmem:s28], [sflag:$0x2] =	stream.indirect.gather [hbm4b:s6+s11], $0x20, s26, s11, $0xb8;
	[tilespmem:$0x19C80] =	vst v63  }
0x180: {  	s26 =	sld [smem:$0x7A6]  }
0x181: {  	s28 =	sld [smem:$0x7A7]  }
0x182: {  	[tilespmem:s31], [sflag:$0x2] =	stream.indirect.gather [hbm4b:s6+s11], $0x20, s29, s11, $0xb8;
	[tilespmem:$0x19C80] =	vst v63  }
0x183: {  	s29 =	sld [smem:$0x7A8]  }
0x184: {  	s31 =	sld [smem:$0x7A9]  }
0x185: {  	[tilespmem:s28], [sflag:$0x2] =	stream.indirect.gather [hbm4b:s6+s11], $0x20, s26, s11, $0xb8;
	[tilespmem:$0x19C80] =	vst v63  }
0x186: {  	s26 =	sld [smem:$0x7AA]  }
0x187: {  	s28 =	sld [smem:$0x7AB]  }
0x188: {  	[tilespmem:s31], [sflag:$0x2] =	stream.indirect.gather [hbm4b:s6+s11], $0x20, s29, s11, $0xb8;
	[tilespmem:$0x19C80] =	vst v63  }
0x189: {  	s29 =	sld [smem:$0x7AC]  }
0x18a: {  	s31 =	sld [smem:$0x7AD]  }
0x18b: {  	[tilespmem:s28], [sflag:$0x2] =	stream.indirect.gather [hbm4b:s6+s11], $0x20, s26, s11, $0xb8;
	[tilespmem:$0x19C80] =	vst v63  }
0x18c: {  	s26 =	sld [smem:$0x7AE]  }
0x18d: {  	s28 =	sld [smem:$0x7AF]  }
0x18e: {  	[tilespmem:s31], [sflag:$0x2] =	stream.indirect.gather [hbm4b:s6+s11], $0x20, s29, s11, $0xb8;
	[tilespmem:$0x19C80] =	vst v63  }
0x18f: {  	s29 =	sld [smem:$0x7B0]  }
0x190: {  	s31 =	sld [smem:$0x7B1]  }
0x191: {  	[tilespmem:s28], [sflag:$0x2] =	stream.indirect.gather [hbm4b:s6+s11], $0x20, s26, s11, $0xb8;
	[tilespmem:$0x19C80] =	vst v63  }
0x192: {  	s26 =	sld [smem:$0x7B2]  }
0x193: {  	s28 =	sld [smem:$0x7B3]  }
0x194: {  	[tilespmem:s31], [sflag:$0x2] =	stream.indirect.gather [hbm4b:s6+s11], $0x20, s29, s11, $0xb8;
	[tilespmem:$0x19C80] =	vst v63  }
0x195: {  	s29 =	sld [smem:$0x7B4]  }
0x196: {  	s31 =	sld [smem:$0x7B5]  }
0x197: {  	[tilespmem:s28], [sflag:$0x2] =	stream.indirect.gather [hbm4b:s6+s11], $0x20, s26, s11, $0xb8;
	[tilespmem:$0x19C80] =	vst v63  }
0x198: {  	s26 =	sld [smem:$0x7B6]  }
0x199: {  	s28 =	sld [smem:$0x7B7]  }
0x19a: {  	[tilespmem:s31], [sflag:$0x2] =	stream.indirect.gather [hbm4b:s6+s11], $0x20, s29, s11, $0xb8;
	[tilespmem:$0x19C80] =	vst v63  }
0x19b: {  	s29 =	sld [smem:$0x7B8]  }
0x19c: {  	s31 =	sld [smem:$0x7B9]  }
0x19d: {  	[tilespmem:s28], [sflag:$0x2] =	stream.indirect.gather [hbm4b:s6+s11], $0x20, s26, s11, $0xb8;
	[tilespmem:$0x19C80] =	vst v63  }
0x19e: {  	s26 =	sld [smem:$0x7BA]  }
0x19f: {  	s28 =	sld [smem:$0x7BB]  }
0x1a0: {  	[tilespmem:s31], [sflag:$0x2] =	stream.indirect.gather [hbm4b:s6+s11], $0x20, s29, s11, $0xb8;
	[tilespmem:$0x19C80] =	vst v63  }
0x1a1: {  	s29 =	sld [smem:$0x7BC]  }
0x1a2: {  	s31 =	sld [smem:$0x7BD]  }
0x1a3: {  	[tilespmem:s28], [sflag:$0x2] =	stream.indirect.gather [hbm4b:s6+s11], $0x20, s26, s11, $0xb8;
	[tilespmem:$0x19C80] =	vst v63  }
0x1a4: {  	s26 =	sld [smem:$0x7BE]  }
0x1a5: {  	s28 =	sld [smem:$0x7BF]  }
0x1a6: {  	[tilespmem:s31], [sflag:$0x2] =	stream.indirect.gather [hbm4b:s6+s11], $0x20, s29, s11, $0xb8;
	[tilespmem:$0x19C80] =	vst v63  }
0x1a7: {  	s29 =	sld [smem:$0x7C0]  }
0x1a8: {  	s31 =	sld [smem:$0x7C1]  }
0x1a9: {  	[tilespmem:s28], [sflag:$0x2] =	stream.indirect.gather [hbm4b:s6+s11], $0x20, s26, s11, $0xb8;
	[tilespmem:$0x19C80] =	vst v63  }
0x1aa: {  	s26 =	sld [smem:$0x7C2]  }
0x1ab: {  	s28 =	sld [smem:$0x7C3]  }
0x1ac: {  	[tilespmem:s31], [sflag:$0x2] =	stream.indirect.gather [hbm4b:s6+s11], $0x20, s29, s11, $0xb8;
	[tilespmem:$0x19C80] =	vst v63  }
0x1ad: {  	s29 =	sld [smem:$0x7C4]  }
0x1ae: {  	s31 =	sld [smem:$0x7C5]  }
0x1af: {  	[tilespmem:s28], [sflag:$0x2] =	stream.indirect.gather [hbm4b:s6+s11], $0x20, s26, s11, $0xb8;
	[tilespmem:$0x19C80] =	vst v63  }
0x1b0: {  	s26 =	sld [smem:$0x7C6]  }
0x1b1: {  	s28 =	sld [smem:$0x7C7]  }
0x1b2: {  	[tilespmem:s31], [sflag:$0x2] =	stream.indirect.gather [hbm4b:s6+s11], $0x20, s29, s11, $0xb8;
	[tilespmem:$0x19C80] =	vst v63  }
0x1b3: {  	s29 =	sld [smem:$0x7C8]  }
0x1b4: {  	s31 =	sld [smem:$0x7C9]  }
0x1b5: {  	[tilespmem:s28], [sflag:$0x2] =	stream.indirect.gather [hbm4b:s6+s11], $0x20, s26, s11, $0xb8;
	[tilespmem:$0x19C80] =	vst v63  }
0x1b6: {  	s26 =	sld [smem:$0x7CA]  }
0x1b7: {  	s28 =	sld [smem:$0x7CB]  }
0x1b8: {  	[tilespmem:s31], [sflag:$0x2] =	stream.indirect.gather [hbm4b:s6+s11], $0x20, s29, s11, $0xb8;
	[tilespmem:$0x19C80] =	vst v63  }
0x1b9: {  	s29 =	sld [smem:$0x7CC]  }
0x1ba: {  	s31 =	sld [smem:$0x7CD]  }
0x1bb: {  	[tilespmem:s28], [sflag:$0x2] =	stream.indirect.gather [hbm4b:s6+s11], $0x20, s26, s11, $0xb8;
	[tilespmem:$0x19C80] =	vst v63  }
0x1bc: {  	s26 =	sld [smem:$0x7CE]  }
0x1bd: {  	s28 =	sld [smem:$0x7CF]  }
0x1be: {  	[tilespmem:s31], [sflag:$0x2] =	stream.indirect.gather [hbm4b:s6+s11], $0x20, s29, s11, $0xb8;
	[tilespmem:$0x19C80] =	vst v63  }
0x1bf: {  	s29 =	sld [smem:$0x7D0]  }
0x1c0: {  	s31 =	sld [smem:$0x7D1]  }
0x1c1: {  	[tilespmem:s28], [sflag:$0x2] =	stream.indirect.gather [hbm4b:s6+s11], $0x20, s26, s11, $0xb8;
	[tilespmem:$0x19C80] =	vst v63  }
0x1c2: {  	s26 =	sld [smem:$0x7D2]  }
0x1c3: {  	s28 =	sld [smem:$0x7D3]  }
0x1c4: {  	[tilespmem:s31], [sflag:$0x2] =	stream.indirect.gather [hbm4b:s6+s11], $0x20, s29, s11, $0xb8;
	[tilespmem:$0x19C80] =	vst v63  }
0x1c5: {  	s29 =	sld [smem:$0x7D4]  }
0x1c6: {  	s31 =	sld [smem:$0x7D5]  }
0x1c7: {  	[tilespmem:s28], [sflag:$0x2] =	stream.indirect.gather [hbm4b:s6+s11], $0x20, s26, s11, $0xb8;
	[tilespmem:$0x19C80] =	vst v63  }
0x1c8: {  	s26 =	sld [smem:$0x7D6]  }
0x1c9: {  	s28 =	sld [smem:$0x7D7]  }
0x1ca: {  	[tilespmem:s31], [sflag:$0x2] =	stream.indirect.gather [hbm4b:s6+s11], $0x20, s29, s11, $0xb8;
	[tilespmem:$0x19C80] =	vst v63  }
0x1cb: {  	s29 =	sld [smem:$0x7D8]  }
0x1cc: {  	s31 =	sld [smem:$0x7D9]  }
0x1cd: {  	[tilespmem:s28], [sflag:$0x2] =	stream.indirect.gather [hbm4b:s6+s11], $0x20, s26, s11, $0xb8;
	[tilespmem:$0x19C80] =	vst v63  }
0x1ce: {  	s26 =	sld [smem:$0x7DA]  }
0x1cf: {  	s28 =	sld [smem:$0x7DB]  }
0x1d0: {  	[tilespmem:s31], [sflag:$0x2] =	stream.indirect.gather [hbm4b:s6+s11], $0x20, s29, s11, $0xb8;
	[tilespmem:$0x19C80] =	vst v63  }
0x1d1: {  	s29 =	sld [smem:$0x7DC]  }
0x1d2: {  	s31 =	sld [smem:$0x7DD]  }
0x1d3: {  	[tilespmem:s28], [sflag:$0x2] =	stream.indirect.gather [hbm4b:s6+s11], $0x20, s26, s11, $0xb8;
	[tilespmem:$0x19C80] =	vst v63  }
0x1d4: {  	s26 =	sld [smem:$0x7DE]  }
0x1d5: {  	s28 =	sld [smem:$0x7DF]  }
0x1d6: {  	[tilespmem:s31], [sflag:$0x2] =	stream.indirect.gather [hbm4b:s6+s11], $0x20, s29, s11, $0xb8;
	[tilespmem:$0x19C80] =	vst v63  }
0x1d7: {  	s29 =	sld [smem:$0x7E0]  }
0x1d8: {  	s31 =	sld [smem:$0x7E1]  }
0x1d9: {  	[tilespmem:s28], [sflag:$0x2] =	stream.indirect.gather [hbm4b:s6+s11], $0x20, s26, s11, $0xb8;
	[tilespmem:$0x19C80] =	vst v63  }
0x1da: {  	s26 =	sld [smem:$0x7E2]  }
0x1db: {  	s28 =	sld [smem:$0x7E3]  }
0x1dc: {  	[tilespmem:s31], [sflag:$0x2] =	stream.indirect.gather [hbm4b:s6+s11], $0x20, s29, s11, $0xb8;
	[tilespmem:$0x19C80] =	vst v63  }
0x1dd: {  	s29 =	sld [smem:$0x7E4]  }
0x1de: {  	s31 =	sld [smem:$0x7E5]  }
0x1df: {  	[tilespmem:s28], [sflag:$0x2] =	stream.indirect.gather [hbm4b:s6+s11], $0x20, s26, s11, $0xb8;
	[tilespmem:$0x19C80] =	vst v63  }
0x1e0: {  	s26 =	sld [smem:$0x7E6]  }
0x1e1: {  	s28 =	sld [smem:$0x7E7]  }
0x1e2: {  	[tilespmem:s31], [sflag:$0x2] =	stream.indirect.gather [hbm4b:s6+s11], $0x20, s29, s11, $0xb8;
	[tilespmem:$0x19C80] =	vst v63  }
0x1e3: {  	s29 =	sld [smem:$0x7E8]  }
0x1e4: {  	s31 =	sld [smem:$0x7E9]  }
0x1e5: {  	[tilespmem:s28], [sflag:$0x2] =	stream.indirect.gather [hbm4b:s6+s11], $0x20, s26, s11, $0xb8;
	[tilespmem:$0x19C80] =	vst v63  }
0x1e6: {  	s26 =	sld [smem:$0x7EA]  }
0x1e7: {  	s28 =	sld [smem:$0x7EB]  }
0x1e8: {  	[tilespmem:s31], [sflag:$0x2] =	stream.indirect.gather [hbm4b:s6+s11], $0x20, s29, s11, $0xb8;
	[tilespmem:$0x19C80] =	vst v63  }
0x1e9: {  	s29 =	sld [smem:$0x7EC]  }
0x1ea: {  	s31 =	sld [smem:$0x7ED]  }
0x1eb: {  	[tilespmem:s28], [sflag:$0x2] =	stream.indirect.gather [hbm4b:s6+s11], $0x20, s26, s11, $0xb8;
	[tilespmem:$0x19C80] =	vst v63  }
0x1ec: {  	s26 =	sld [smem:$0x7EE]  }
0x1ed: {  	s28 =	sld [smem:$0x7EF]  }
0x1ee: {  	[tilespmem:s31], [sflag:$0x2] =	stream.indirect.gather [hbm4b:s6+s11], $0x20, s29, s11, $0xb8;
	[tilespmem:$0x19C80] =	vst v63  }
0x1ef: {  	s29 =	sld [smem:$0x7F0]  }
0x1f0: {  	s31 =	sld [smem:$0x7F1]  }
0x1f1: {  	[tilespmem:s28], [sflag:$0x2] =	stream.indirect.gather [hbm4b:s6+s11], $0x20, s26, s11, $0xb8;
	[tilespmem:$0x19C80] =	vst v63  }
0x1f2: {  	s26 =	sld [smem:$0x7F2]  }
0x1f3: {  	s28 =	sld [smem:$0x7F3]  }
0x1f4: {  	[tilespmem:s31], [sflag:$0x2] =	stream.indirect.gather [hbm4b:s6+s11], $0x20, s29, s11, $0xb8;
	[tilespmem:$0x19C80] =	vst v63  }
0x1f5: {  	s29 =	sld [smem:$0x7F4]  }
0x1f6: {  	s31 =	sld [smem:$0x7F5]  }
0x1f7: {  	[tilespmem:s28], [sflag:$0x2] =	stream.indirect.gather [hbm4b:s6+s11], $0x20, s26, s11, $0xb8;
	[tilespmem:$0x19C80] =	vst v63  }
0x1f8: {  	s26 =	sld [smem:$0x7F6]  }
0x1f9: {  	s28 =	sld [smem:$0x7F7]  }
0x1fa: {  	[tilespmem:s31], [sflag:$0x2] =	stream.indirect.gather [hbm4b:s6+s11], $0x20, s29, s11, $0xb8;
	[tilespmem:$0x19C80] =	vst v63  }
0x1fb: {  	s29 =	sld [smem:$0x7F8]  }
0x1fc: {  	s31 =	sld [smem:$0x7F9]  }
0x1fd: {  	[tilespmem:s28], [sflag:$0x2] =	stream.indirect.gather [hbm4b:s6+s11], $0x20, s26, s11, $0xb8;
	[tilespmem:$0x19C80] =	vst v63  }
0x1fe: {  	s26 =	sld [smem:$0x7FA]  }
0x1ff: {  	s28 =	sld [smem:$0x7FB]  }
0x200: {  	[tilespmem:s31], [sflag:$0x2] =	stream.indirect.gather [hbm4b:s6+s11], $0x20, s29, s11, $0xb8;
	[tilespmem:$0x19C80] =	vst v63  }
0x201: {  	s29 =	sld [smem:$0x7FC]  }
0x202: {  	s31 =	sld [smem:$0x7FD]  }
0x203: {  	[tilespmem:s28], [sflag:$0x2] =	stream.indirect.gather [hbm4b:s6+s11], $0x20, s26, s11, $0xb8;
	[tilespmem:$0x19C80] =	vst v63  }
0x204: {  	_ = 	snop  }
0x205: {  	[tilespmem:s31], [sflag:$0x2] =	stream.indirect.gather [hbm4b:s6+s11], $0x20, s29, s11, $0xb8;
	[tilespmem:$0x19C80] =	vst v63  }
0x206: {  	_ =	swait.ge [sflag:s18], $0xC800  }
0x207: {  	s31 =	rddreg [dreg:$0x3]  }
0x208: {  	s26 =	sadd.s32 s25, s31;
	s25 =	sadd.s32 $0x100, s25  }
0x209: {  	p0 =	sne.s32 s25, $0x800  }
.Ltmp0:
0x20a: {  	_ = 	snop;
	(pc) =	sbr.rel @p0 .LBB2_2-.Ltmp0, $4  }
0x20b: {  	_ = 	snop  }
0x20c: {  	[sflag:s18] =	ssyncset.done $0x0  }
0x20d: {  	s24 =	sadd.s32 $0x8, s24;
	s23 =	sadd.s32 $0x40, s23;
	[sflag:s18] =	ssyncadd.s32 $0xFFFF3800  }
0x20e: {  	[hbm4b:s26+s15] =	stream.strided.scatter [tilespmem:s14], [sflag:$0x3], $0xC800, s19, s15, $0x38;
	[tilespmem:$0x19C80] =	vst v63  }
0x20f: {  	_ =	swait.ge [sflag:s20], $0xC800  }
0x210: {  	[sflag:s20] =	ssyncset.done $0x0  }
0x211: {  	s22 =	sadd.s32 $0x1, s22;
	[sflag:s20] =	ssyncadd.s32 $0xFFFF3800  }
0x212: {  	[hbm4b:s8+s15] =	stream.strided.scatter [tilespmem:s17], [sflag:$0x5], $0xC800, s19, s15, $0x38;
	[tilespmem:$0x19C80] =	vst v63  }
0x213: {  	p0 =	sne.s32 s22, s9;
	_ =	swait.ge [sflag:s13], $0xC800  }
.Ltmp1:
0x214: {  	[sflag:s13] =	ssyncset.done $0x0;
	(pc) =	sbr.rel @p0 .LBB2_1-.Ltmp1, $4  }
0x215: {  	[sflag:s13] =	ssyncadd.s32 $0xFFFF3800  }
0x216: {  	_ =	swait.ge [sflag:s21], $0xC800  }
0x217: {  	[sflag:s21] =	ssyncset.done $0x0  }
0x218: {  	[sflag:s21] =	ssyncadd.s32 $0xFFFF3800  }
0x219: {  	_ =	sfence.sel $0x180000  }
0x21a: {  	[bflag:$0x0] =	sbarrier.arrive $0xFFFF  }
0x21b: {  	p0 =	sne.s32 s1, $0x0;
	_ =	strace $0x90000047  }
0x21c: {  	s0 =	sadd.s32 @!p0 $0x100000, s0;
	[bflag:$0x2] =	sbarrier.arrive $0xFFFF  }
0x21d: {  	[sflag:s0] =	ssyncadd.tile.s32 @!p0 $0x1;
	_ =	shalt  }
.Lfunc_end2:
_tile_overlayer_lowered:
.L_overlay_start_2:
0x21e: {  	(tag) =	ssettag $0x2  }
0x21f: {  	s0 =	rddreg [dreg:$0x0];
	s2 =	stileid.u32  }
0x220: {  	s1 =	rddreg [dreg:$0x1];
	p0 =	sne.s32 s2, $0x0  }
0x221: {  	s3 =	rddreg [dreg:$0x2];
	[bflag:$0x3] =	sbarrier.arrive $0xFFFF;
	s2 =	simm.s32 @!p0 $0x1C05  }
0x222: {  	[timem:s3], [sflag:s2] =	dma.local @!p0 [hbm:s0], s1  }
0x223: {  	s0 =	simm.s32 @!p0 $0x5  }
0x224: {  	_ =	swait.ge @!p0 [sflag:s0], s1  }
0x225: {  	s1 =	ssub.s32 @!p0 $0x0, s1;
	[sflag:s0] =	ssyncset.done @!p0 $0x0  }
0x226: {  	[sflag:s0] =	ssyncadd.s32 @!p0 s1  }
0x227: {  	[bflag:$0x3] =	sbarrier.arrive $0xFFFF  }
0x228: {  	_ =	shalt  }

// kernel: sparse-core-data-format-call.cloned.1.call-start
scs
called_computation_lowered:
.L_overlay_start_0:
0x0: {  	s2 =	sld [smem:$0x3FD9]  }
0x1: {  	s3 =	sld [smem:$0x3FFE];
	_ =	sdelay $0x1  }
0x2: {  	s1 =	srdreg.scid  }
0x3: {  	s0 =	sand.u32 $0x1, s1  }
0x4: {  	s18 =	sshll.u32 s0, $0xA;
	s2 =	sadd.s32 s3, s2  }
0x5: {  	s2 =	sadd.s32 s2, s18  }
0x6: {  	[smem:$0x3FC6] =	sst s2  }
0x7: {  	_ = 	snop  }
0x8: {  	s2 =	sld [smem:$0x3FD0];
	(tm) =	ssettm $0x1  }
0x9: {  	s19 =	sld [smem:$0x3FFB];
	_ =	sdelay $0x3  }
0xa: {  	_ =	strace s19  }
0xb: {  	s3 =	sld [smem:$0x3FFC];
	_ =	sdelay $0x3  }
0xc: {  	_ =	strace s3  }
0xd: {  	s3 =	sld [smem:$0x3FFD];
	_ =	sdelay $0x3  }
0xe: {  	_ =	strace s3  }
0xf: {  	_ =	strace $0x8FFFFFFF  }
0x10: {  	s20 =	sld [smem:$0x3FDB];
	_ =	sdelay $0x1  }
0x11: {  	s4 =	simm.s32 $_scs_section_size  }
0x12: {  	s5 =	simm.s32 $_size__tile_overlayer_lowered;
	s6 =	simm.s32 $_tile_overlayer_lowered  }
0x13: {  	s23 =	simm.s32 $0x1BFF;
	s22 =	sshll.u32 s6, $0x1;
	s3 =	sadd.s32 s4, s20  }
0x14: {  	s7 =	simm.s32 $0x0;
	s21 =	sshll.u32 s5, $0x1;
	s5 =	sadd.s32 s22, s3  }
0x15: {  	[timem:s7], [sflag:s23] =	dma.local [hbm:s5], s21  }
0x16: {  	_ =	swait.ge [sflag:s23], s21  }
0x17: {  	s4 =	ssub.s32 $0x0, s21;
	[sflag:s23] =	ssyncset.done $0x0  }
0x18: {  	[sflag:s23] =	ssyncadd.s32 s4;
	_ =	sdelay $0x1  }
0x19: {  	s24 =	simm.s32 $0x1B8B  }
0x1a: {  	_ =	swait.ge [sflag:s24], $0x1  }
0x1b: {  	[sflag:s24] =	ssyncset.done $0x0  }
0x1c: {  	s26 =	simm.s32 $0x1B8E;
	s25 =	sld [smem:$0x3FFE];
	[sflag:s24] =	ssyncadd.s32 $0xFFFFFFFF  }
0x1d: {  	s27 =	simm.s32 $execute0_lowered;
	[smem:$0x3FD2] =	sst s26  }
0x1e: {  	s5 =	sshll.u32 s27, $0x1;
	_ =	strace $0x80000049;
	[dreg:$0x1] =	wrdreg $0xFFFFFFFF  }
0x1f: {  	s28 =	simm.s32 $_size_execute0_lowered;
	s3 =	sadd.s32 s3, s5;
	[dreg:$0x0] =	wrdreg $0x0  }
0x20: {  	s5 =	sshll.u32 s28, $0x1;
	[dreg:$0x2] =	wrdreg s3  }
0x21: {  	[dreg:$0x3] =	wrdreg s5  }
0x22: {  	[dreg:$0x4] =	wrdreg $0xC0  }
0x23: {  	_ =	task [dreg:s7], $0x5FFFF  }
0x24: {  	[dreg:$0x1] =	wrdreg $0xFFFFFFFF  }
0x25: {  	[dreg:$0x0] =	wrdreg $0x60  }
0x26: {  	[dreg:$0x2] =	wrdreg s25  }
0x27: {  	[dreg:$0x3] =	wrdreg s2  }
0x28: {  	[dreg:$0x4] =	wrdreg $0x9  }
0x29: {  	_ =	task.clear_ibuf [dreg:s7], $0x5FFFF;
	_ =	strace $0x90000049  }
0x2a: {  	s29 =	simm.s32 $0x9;
	_ =	strace $0x8000004B  }
0x2b: {  	_ =	swait.ge [sflag:s29], $0x1  }
0x2c: {  	[sflag:s29] =	ssyncadd.s32 $0xFFFFFFFF  }
0x2d: {  	_ =	strace $0x9000004B  }
0x2e: {  	_ =	sfence  }
0x2f: {  	s30 =	sld [smem:$0x0];
	_ =	sdelay $0x2  }
0x30: {  	s31 =	sshll.u32 s1, $0xD;
	s1 =	sshrl.u32 s1, $0x2  }
0x31: {  	s3 =	sand.u32 $0x4000, s31;
	s1 =	sadd.s32 s1, s30  }
0x32: {  	s0 =	sor.u32 s3, s0;
	s1 =	sshll.u32 s1, $0x11  }
0x33: {  	s0 =	sor.u32 s1, s0  }
0x34: {  	s0 =	sadd.s32 $0x8F2B, s0  }
0x35: {  	[sflag:s0] =	ssyncadd.remote.s32 $0x1  }
0x36: {  	_ =	sfence.sel $0xFFFF  }
0x37: {  	[dreg:$0x0] =	wrdreg $0xFFFFFFFF;
	(pc) =	sbr.abs _section_cstart, $3  }
0x38: {  	[dreg:$0x1] =	wrdreg $0xFFFFFFFF  }
0x39: {  	_ =	task.clear_ibuf [dreg:s7], $0x2FFFF;
	_ =	strace $0x9FFFFFFF  }
0x3a: {  	(tm) =	ssettm $0x7FFFFFFF  }
0x3b: {  	_ =	shalt  }
tec
execute0_lowered:
.L_overlay_start_1:
0x0: {  	(tag) =	ssettag $0x1  }
0x1: {  	s0 =	srdreg.scid  }
0x2: {  	s1 =	sshll.u32 s0, $0x4  }
0x3: {  	s0 =	stileid.u32;
	s1 =	sand.u32 $0x10, s1  }
0x4: {  	s7 =	rddreg [dreg:$0x0];
	s1 =	sor.u32 s0, s1  }
0x5: {  	s4 =	simm.s32 $0x1;
	s8 =	simm.s32 $0x2;
	s2 =	sshll.u32 s1, $0x7  }
0x6: {  	s13 =	simm.s32 $0x0;
	s9 =	simm.s32 $0x20000;
	s1 =	ssub.s32 $0x4000, s2  }
0x7: {  	s14 =	simm.s32 $0x0;
	s11 =	simm.s32 $0x0;
	s3 =	sand.u32 $0xF80, s1  }
0x8: {  	s12 =	simm.s32 $0x0;
	s5 =	sshrl.u32 s1, $0xC;
	p0 =	sne.s32 s3, $0x0  }
.Ltmp0:
0x9: {  	s1 =	rddreg [dreg:$0x2];
	s4 =	simm.s32 @!p0 $0x0;
	(pc) =	sbr.rel .LBB1_1-.Ltmp0, $4  }
0xa: {  	s6 =	sadd.s32 $0xA00, s7;
	s3 =	rddreg [dreg:$0x1];
	s5 =	sadd.s32 s4, s5  }
0xb: {  	_ =	strace $0x8000004A;
	s4 =	simm.s32 $0x1;
	s5 =	smul.u32 $0x19, s5  }
0xc: {  	s7 =	sadd.s32 $0x40A00, s7;
	s10 =	smov.u32 s2;
	[sflag:s4] =	ssyncpa.u1 $0x0  }
0xd: {  	p0 =	por $0x0, $0x0;
	[sflag:s8] =	ssyncpa.u1 $0x0;
	s8 =	sadd.s32 $0x1, s5  }
.LBB1_7:
0xe: {  	s15 =	sadd.s32 $0x1000, s10  }
0xf: {  	s13 =	sadd.s32 $0x2, s11;
	s17 =	smov.u32 s11;
	p2 =	sgt.s32 s15, $0x3FFF  }
0x10: {  	s17 =	smov.u32 @p2 s13  }
0x11: {  	s15 =	smov.u32 @p2 s2;
	p2 =	sgt.s32 s17, $0x31  }
0x12: {  	s17 =	simm.s32 @p2 $0x0;
	p2 =	sne.s32 s12, s8  }
.Ltmp1:
0x13: {  	p1 =	slt.u32 s12, $0x2;
	(pc) =	sbr.rel @!p2 .LBB1_8-.Ltmp1, $4  }
0x14: {  	s16 =	simm.s32 @!p1 $0x2  }
0x15: {  	s14 =	smov.u32 s11;
	p0 =	por !p0, !p0;
	_ =	swait.ge @!p1 [sflag:s16], $0x2000  }
0x16: {  	s13 =	smov.u32 s10;
	[sflag:s16] =	ssyncset.done @!p1 $0x0;
	s10 =	smov.u32 s15  }
0x17: {  	s12 =	sadd.s32 $0x1, s12;
	[sflag:s16] =	ssyncadd.s32 @!p1 $0xFFFFE000;
	s11 =	smov.u32 s17  }
.LBB1_1:
0x18: {  	p1 =	sge.u32 s12, s5  }
0x19: {  	s15 =	sxor.u32 @!p1 $0xFFFFFFFF, s12;
	s16 =	sshll.u32 @!p1 s11, $0x12  }
0x1a: {  	s17 =	sshll.u32 @!p1 s10, $0x4;
	s19 =	simm.s32 @!p1 $0x20;
	s20 =	simm.s32 @!p1 $0x80  }
0x1b: {  	s15 =	sshll.u32 @!p1 s15, $0xD;
	s17 =	sand.u32 @!p1 $0x3FFF0, s17;
	s18 =	sadd.s32 @!p1 s6, s16  }
0x1c: {  	s16 =	sadd.s32 @!p1 s16, s7;
	s15 =	sand.u32 @!p1 $0x2000, s15;
	s18 =	sadd.s32 @!p1 s17, s18  }
0x1d: {  	[tilespmem:s15], [sflag:$0x1] =	stream.strided.gather @!p1 [hbm4b:s18+s19], $0x1000, s20, s19, $0x38;
	[tilespmem:$0x8080] =	vst v63  }
0x1e: {  	s31 =	sadd.s32 $0xFFFFFFFF, s12;
	s16 =	sadd.s32 @!p1 s17, s16;
	s15 =	sor.u32 @!p1 $0x1000, s15  }
0x1f: {  	[tilespmem:s15], [sflag:$0x1] =	stream.strided.gather @!p1 [hbm4b:s16+s19], $0x1000, s20, s19, $0x38;
	[tilespmem:$0x8080] =	vst v63  }
0x20: {  	p1 =	sge.u32 s31, s5  }
.Ltmp2:
0x21: {  	_ = 	snop;
	(pc) =	sbr.rel @p1 .LBB1_7-.Ltmp2, $1  }
0x22: {  	_ =	sdelay $0x3  }
0x23: {  	s15 =	simm.s32 $0x1;
	s17 =	sand.u32 $0x1, s12  }
0x24: {  	_ =	swait.ge [sflag:s4], $0x2000;
	s15 =	simm.s32 @!p0 $0x0;
	s17 =	smul.u32 $0x8100, s17  }
0x25: {  	p2 =	por $0x1, $0x1;
	[sflag:s4] =	ssyncset.done $0x0;
	s16 =	smul.u32 $0x8100, s15  }
0x26: {  	s18 =	sshll.u32 s15, $0xF;
	[sflag:s4] =	ssyncadd.s32 $0xFFFFE000;
	s30 =	sshrl.u32 s17, $0x2  }
0x27: {  	s31 =	sshrl.u32 s18, $0x2;
	s18 =	simm.s32 $0x0;
	s16 =	sshrl.u32 s16, $0x2  }
0x28: {  	s15 =	sor.u32 $0x4000, s30;
	s17 =	sadd.s32 $0x10, s31;
	s16 =	sor.u32 $0x4000, s16  }
.LBB1_3:
0x29: {  	s19 =	sshll.u32 s18, $0xC  }
0x2a: {  	s19 =	sand.u32 $0x3FFFF000, s19  }
0x2b: {  	s20 =	sadd.s32 s19, s17  }
0x2c: {  	s31 =	smul.u32 $0x4080, s18;
	v1 =	vld [tilespmem:s20+$0x0]  }
0x2d: {  	v0 =	vld [tilespmem:s20+$0xFFFFFFF0]  }
0x2e: {  	s18 =	sshra.s32 s31, $0x2  }
0x2f: {  	s18 =	sadd.s32 s18, s16  }
0x30: {  	s21 =	sadd.s32 $0x0, s18  }
0x31: {  	p1 =	por p2, p2;
	s19 =	simm.s32 $0x4;
	s20 =	sadd.s32 $0x20, s20;
	[tilespmem:s21+$0x810 ss:$0x81] =	vst.msk $0xffff, v1  }
.LBB1_4:
0x32: {  	v1 =	vld [tilespmem:s20+$0x0];
	p2 =	sne.s32 s19, $0x1FC;
	[tilespmem:s21+$0x0 ss:$0x81] =	vst.msk $0xffff, v0;
	s21 =	smov.u32 s19;
	s19 =	sadd.s32 $0x4, s19  }
.Ltmp3:
0x33: {  	v0 =	vld [tilespmem:s20+$0xFFFFFFF0];
	(pc) =	sbr.rel @p2 .LBB1_4-.Ltmp3, $4  }
0x34: {  	_ = 	snop  }
0x35: {  	s21 =	sshra.s32 s21, $0x2  }
0x36: {  	s21 =	sadd.s32 s21, s18  }
0x37: {  	s20 =	sadd.s32 $0x20, s20;
	[tilespmem:s21+$0x810 ss:$0x81] =	vst.msk $0xffff, v1  }
.Ltmp4:
0x38: {  	(pc) =	sbr.rel @p1 .LBB1_3-.Ltmp4, $2  }
0x39: {  	_ =	sdelay $0x2  }
0x3a: {  	[tilespmem:s21+$0x0 ss:$0x81] =	vst.msk $0xffff, v0;
	s18 =	simm.s32 $0x1;
	p2 =	por $0x0, $0x0  }
0x3b: {  	s16 =	sshll.u32 s13, $0x3;
	s17 =	sand.u32 $0x78, s13;
	s14 =	sshll.u32 s14, $0x10  }
.Ltmp5:
0x3c: {  	s30 =	sand.u32 $0xF800, s13;
	s16 =	sand.u32 $0x3C00, s16;
	(pc) =	sbr.rel .LBB1_7-.Ltmp5, $4  }
0x3d: {  	s31 =	sand.u32 $0x7, s13;
	s14 =	sadd.s32 s3, s14;
	s16 =	sor.u32 s17, s16  }
0x3e: {  	s13 =	sshll.u32 s31, $0x12;
	s14 =	sadd.s32 s30, s14;
	s16 =	sshrl.u32 s16, $0x3  }
0x3f: {  	s13 =	sor.u32 $0x400, s13;
	s14 =	sadd.s32 s16, s14  }
0x40: {  	[hbm4b:s14+s13] =	stream.strided.scatter [tilespmem:s15], [sflag:$0x2], $0x2000, s9, s13, $0x20;
	[tilespmem:$0x8080] =	vst v63  }
.LBB1_8:
0x41: {  	_ =	sfence.sel $0x180000  }
0x42: {  	s2 =	simm.s32 $0x1;
	[bflag:$0x0] =	sbarrier.arrive $0xFFFF  }
0x43: {  	s31 =	simm.s32 $0x2;
	[sflag:s2] =	ssyncpa.u1 $0x1  }
0x44: {  	[sflag:s31] =	ssyncpa.u1 $0x1  }
0x45: {  	p0 =	sne.s32 s0, $0x0;
	_ =	strace $0x9000004A  }
0x46: {  	s0 =	sadd.s32 @!p0 $0x100000, s1;
	[bflag:$0x2] =	sbarrier.arrive $0xFFFF  }
0x47: {  	[sflag:s0] =	ssyncadd.tile.s32 @!p0 $0x1;
	_ =	shalt  }
.Lfunc_end1:
_tile_overlayer_lowered:
.L_overlay_start_2:
0x48: {  	(tag) =	ssettag $0x2  }
0x49: {  	s0 =	rddreg [dreg:$0x0];
	s2 =	stileid.u32  }
0x4a: {  	s1 =	rddreg [dreg:$0x1];
	p0 =	sne.s32 s2, $0x0  }
0x4b: {  	s3 =	rddreg [dreg:$0x2];
	[bflag:$0x3] =	sbarrier.arrive $0xFFFF;
	s2 =	simm.s32 @!p0 $0x1C01  }
0x4c: {  	[timem:s3], [sflag:s2] =	dma.local @!p0 [hbm:s0], s1  }
0x4d: {  	s0 =	simm.s32 @!p0 $0x1  }
0x4e: {  	_ =	swait.ge @!p0 [sflag:s0], s1  }
0x4f: {  	s1 =	ssub.s32 @!p0 $0x0, s1;
	[sflag:s0] =	ssyncset.done @!p0 $0x0  }
0x50: {  	[sflag:s0] =	ssyncadd.s32 @!p0 s1  }
0x51: {  	[bflag:$0x3] =	sbarrier.arrive $0xFFFF  }
0x52: {  	_ =	shalt  }

</sc_bundles>
